<compile_context>
chip_gen: v7x
topology: tpu7x:2x2x1
jax: 0.10.2.dev20260603
libtpu: 0.0.44.dev20260713+nightly
codegen_flags: <defaults>
</compile_context>

<pallas_src>
import jax
import jax.numpy as jnp
from jax import lax
from jax.experimental import pallas as pl
from jax.experimental.pallas import tpu as pltpu

_B = 8
_IN = 128
_H = 800
_C = 800
_A = 128
_HEADS = 8
_DH = _C // _HEADS
_RADIUS2 = 64.0
_TOTAL = 256
_L = _TOTAL

_PREC = lax.Precision.DEFAULT
_JB = 64


def _dot(a, b):
    return jnp.dot(a, b, precision=_PREC, preferred_element_type=jnp.float32)


def _dot_t(a, b):
    return lax.dot_general(a, b, (((1,), (1,)), ((), ())),
                           precision=_PREC, preferred_element_type=jnp.float32)


def _rnn_kernel(s_ref, inputs_ref, cnt_ref,
                wih_r_ref, wih_z_ref, wih_n_ref, bih_ref,
                whh_r_ref, whh_z_ref, whh_n_ref, bhh_ref,
                wa_ref, ba_ref, w1_ref, b1_ref,
                w2_ref, mw_ref, wv_ref,
                outp_ref, outa_ref, poss_ref, v_ref, h1_ref):
    f32 = jnp.float32
    poss_ref[...] = jnp.zeros((_L, _B, 9), f32)
    v_ref[...] = jnp.zeros((_L, _B, _C), f32)
    h1_ref[...] = jnp.zeros((_L, _B, _A), f32)

    e_mat = (lax.broadcasted_iota(jnp.int32, (_HEADS, _C), 1) // _DH ==
             lax.broadcasted_iota(jnp.int32, (_HEADS, _C), 0)).astype(f32)
    p_mat = (lax.broadcasted_iota(jnp.int32, (_B, _JB * _B), 1) % _B ==
             lax.broadcasted_iota(jnp.int32, (_B, _JB * _B), 0)).astype(f32)
    jidx = lax.broadcasted_iota(jnp.int32, (_JB, _B, 1), 0)

    bih = bih_ref[...]
    bhh = bhh_ref[...]
    w2 = w2_ref[...]
    mw = mw_ref[...]
    b1 = b1_ref[...]
    ba = ba_ref[...]
    w1n = w1_ref[931:934, :]
    wvn = wv_ref[931:934, :]

    def body(t, carry):
        h, ctx = carry
        tm1 = jnp.maximum(t - 1, 0)
        prev_row = poss_ref[tm1]
        is0 = (t == 0)
        base = jnp.where(is0, jnp.zeros((_B, 3), f32), prev_row[:, 6:9])

        def blk(i, acc):
            num_a, den_a = acc
            possv = poss_ref[pl.ds(i * _JB, _JB)]
            dsq = possv - prev_row[None, :, :]
            dsq = dsq * dsq
            s3 = dsq[:, :, 0:3] + dsq[:, :, 3:6] + dsq[:, :, 6:9]
            ndist = jnp.sqrt(s3).reshape(_JB * _B, 3)
            d2 = jnp.sum(dsq[:, :, 3:6], axis=2, keepdims=True)
            maskf = ((i * _JB + jidx < t) &
                     (d2 <= _RADIUS2)).astype(f32).reshape(_JB * _B, 1)

            h1v = h1_ref[pl.ds(i * _JB, _JB)].reshape(_JB * _B, _A)
            hid = jnp.tanh(h1v + _dot(ndist, w1n))
            logits = _dot(hid, w2) - mw
            w = jnp.exp(logits) * maskf
            den_a = den_a + _dot(p_mat, w)
            wfull = _dot(w, e_mat)
            vals = (v_ref[pl.ds(i * _JB, _JB)].reshape(_JB * _B, _C) +
                    _dot(ndist, wvn))
            num_a = num_a + _dot(p_mat, wfull * vals)
            return num_a, den_a

        nblk = (t + _JB - 1) // _JB
        num, den = lax.fori_loop(
            0, nblk, blk,
            (jnp.zeros((_B, _C), f32), jnp.zeros((_B, _HEADS), f32)))
        den_full = _dot(den, e_mat)
        ctx_new = num / jnp.maximum(den_full, 1e-30)
        ctx_new = jnp.where(is0, jnp.zeros((_B, _C), f32), ctx_new)

        dt_raw = jnp.concatenate(
            [inputs_ref[pl.ds(jnp.minimum(s_ref[1 + b] + t, _TOTAL - 1), 1)]
             for b in range(_B)], axis=0)
        dt = jnp.where(t < cnt_ref[...], dt_raw, 0.0)
        x = jnp.concatenate([dt, ctx], axis=1)

        gi_r = _dot(x, wih_r_ref[...]) + bih[:, 0:_H]
        gi_z = _dot(x, wih_z_ref[...]) + bih[:, _H:2 * _H]
        gi_n = _dot(x, wih_n_ref[...]) + bih[:, 2 * _H:3 * _H]
        gh_r = _dot(h, whh_r_ref[...]) + bhh[:, 0:_H]
        gh_z = _dot(h, whh_z_ref[...]) + bhh[:, _H:2 * _H]
        gh_n = _dot(h, whh_n_ref[...]) + bhh[:, 2 * _H:3 * _H]
        r = jax.nn.sigmoid(gi_r + gh_r)
        z = jax.nn.sigmoid(gi_z + gh_z)
        n = jnp.tanh(gi_n + r * gh_n)
        h_new = (1.0 - z) * n + z * h

        angle = jnp.pi * jnp.tanh(_dot(h_new, wa_ref[...]) + ba)

        cosv = jnp.cos(angle)
        sinv = jnp.sin(angle)
        rn = lax.rsqrt(cosv * cosv + sinv * sinv + 0.01)
        ux = 1.5 * cosv * rn
        uy = 1.5 * sinv * rn
        uz = 0.15 * rn
        a0x = base[:, 0:1] + ux[:, 0:1]
        a0y = base[:, 1:2] + uy[:, 0:1]
        a0z = base[:, 2:3] + uz[:, 0:1]
        a1x = a0x + ux[:, 1:2]
        a1y = a0y + uy[:, 1:2]
        a1z = a0z + uz[:, 1:2]
        a2x = a1x + ux[:, 2:3]
        a2y = a1y + uy[:, 2:3]
        a2z = a1z + uz[:, 2:3]
        prow = jnp.concatenate(
            [a0x, a0y, a0z, a1x, a1y, a1z, a2x, a2y, a2z], axis=1)

        poss_ref[t] = prow
        for b in range(_B):
            @pl.when(t < s_ref[9 + b])
            def _(b=b):
                o = s_ref[1 + b] + t
                outp_ref[pl.ds(o, 1), :] = prow[b:b + 1, :]
                outa_ref[pl.ds(o, 1), :] = angle[b:b + 1, :]
        frow = jnp.concatenate(
            [h_new, dt, angle, jnp.zeros((_B, 3), f32)], axis=1)
        v_ref[t] = _dot(frow, wv_ref[...])
        h1_ref[t] = _dot(frow, w1_ref[...]) + b1
        return h_new, ctx_new

    h0 = jnp.zeros((_B, _H), f32)
    c0 = jnp.zeros((_B, _C), f32)
    lax.fori_loop(0, s_ref[0], body, (h0, c0))


def kernel(inputs, structure, W_ih, b_ih, W_hh, b_hh, Wa, ba, W1, b1, W2, Wv):
    f32 = jnp.float32
    counts = jnp.bincount(structure, length=_B).astype(jnp.int32)
    starts = jnp.concatenate(
        [jnp.zeros((1,), counts.dtype), jnp.cumsum(counts)[:-1]])
    sarr = jnp.concatenate(
        [jnp.max(counts).reshape(1), starts, counts])

    WihT = W_ih.T.astype(f32)
    WhhT = W_hh.T.astype(f32)
    mw = jnp.sum(jnp.abs(W2), axis=0).reshape(1, _HEADS)

    outp, outa = pl.pallas_call(
        _rnn_kernel,
        in_specs=[pl.BlockSpec(memory_space=pltpu.SMEM)] +
                 [pl.BlockSpec(memory_space=pltpu.VMEM)] * 17,
        out_specs=[pl.BlockSpec(memory_space=pltpu.VMEM)] * 2,
        out_shape=[
            jax.ShapeDtypeStruct((_TOTAL, 9), f32),
            jax.ShapeDtypeStruct((_TOTAL, 3), f32),
        ],
        scratch_shapes=[
            pltpu.VMEM((_L, _B, 9), f32),
            pltpu.VMEM((_L, _B, _C), f32),
            pltpu.VMEM((_L, _B, _A), f32),
        ],
    )(
        sarr, inputs.astype(f32), counts.reshape(_B, 1),
        WihT[:, 0:_H], WihT[:, _H:2 * _H], WihT[:, 2 * _H:3 * _H],
        b_ih.reshape(1, 3 * _H),
        WhhT[:, 0:_H], WhhT[:, _H:2 * _H], WhhT[:, 2 * _H:3 * _H],
        b_hh.reshape(1, 3 * _H),
        Wa, ba.reshape(1, 3),
        W1, b1.reshape(1, _A),
        W2, mw, Wv,
    )
    return outp.reshape(_TOTAL, 3, 3), outa

# --- scband reference (transcript-rebuilt; emitter-appended) ---
"""Pipeline reference for scband-structure-rnn-30142080484122 (READ-ONLY COPY).

The authoritative reference and input builder live on the scoring server;
editing this copy changes nothing except your own understanding.
"""

import jax, jax.numpy as jnp
import numpy as np

B = 8
IN = 128
H = 800
C = 800
A = 128
HEADS = 8
DH = C // HEADS
RADIUS = 8.0
F = IN + H + 6
TOTAL = 256


def setup_inputs(seed: int = 0) -> dict:
    key = jax.random.key(seed)
    ks = jax.random.split(key, 12)
    s = 0.02
    return {
        "inputs": jax.random.normal(ks[0], (TOTAL, IN), dtype=jnp.float32),
        "structure": jnp.sort(jax.random.randint(ks[1], (TOTAL,), 0, B)),
        "W_ih": jax.random.normal(ks[2], (3 * H, IN + C), dtype=jnp.float32) * s,
        "b_ih": jnp.zeros((3 * H,), jnp.float32),
        "W_hh": jax.random.normal(ks[3], (3 * H, H), dtype=jnp.float32) * s,
        "b_hh": jnp.zeros((3 * H,), jnp.float32),
        "Wa": jax.random.normal(ks[4], (H, 3), dtype=jnp.float32) * s,
        "ba": jnp.zeros((3,), jnp.float32),
        "W1": jax.random.normal(ks[5], (F, A), dtype=jnp.float32) * s,
        "b1": jnp.zeros((A,), jnp.float32),
        "W2": jax.random.normal(ks[6], (A, HEADS), dtype=jnp.float32) * s,
        "Wv": jax.random.normal(ks[7], (F, C), dtype=jnp.float32) * s,
    }


def _pad(inputs, structure):
    total = inputs.shape[0]
    counts = jnp.bincount(structure, length=B)
    L = total
    starts = jnp.concatenate([jnp.zeros((1,), counts.dtype), jnp.cumsum(counts)[:-1]])
    pos = jnp.arange(total) - starts[structure]
    data = jnp.zeros((B, L, inputs.shape[1]), inputs.dtype).at[structure, pos].set(inputs)
    return data, pos, L


def _gru(x, h, W_ih, b_ih, W_hh, b_hh):
    gi = x @ W_ih.T + b_ih
    gh = h @ W_hh.T + b_hh
    ir, iz, inn = jnp.split(gi, 3, axis=1)
    hr, hz, hn = jnp.split(gh, 3, axis=1)
    r = jax.nn.sigmoid(ir + hr)
    z = jax.nn.sigmoid(iz + hz)
    n = jnp.tanh(inn + r * hn)
    return (1.0 - z) * n + z * h


def _unit(a):
    v = jnp.stack([jnp.cos(a), jnp.sin(a), jnp.full_like(a, 0.1)], axis=-1)
    return v / jnp.linalg.norm(v, axis=-1, keepdims=True)


def _position_lookup(angle, base):
    a0 = base + 1.5 * _unit(angle[:, 0])
    a1 = a0 + 1.5 * _unit(angle[:, 1])
    a2 = a1 + 1.5 * _unit(angle[:, 2])
    return jnp.stack([a0, a1, a2], axis=1)


def _mil(feat, mask, W1, b1, W2, Wv):
    hid = jnp.tanh(feat @ W1 + b1)
    logits = hid @ W2
    logits = jnp.where(mask[..., None], logits, -1e9)
    w = jax.nn.softmax(logits, axis=1)
    vals = (feat @ Wv).reshape(feat.shape[0], feat.shape[1], HEADS, DH)
    ctx = jnp.einsum('blh,blhd->bhd', w, vals)
    return ctx.reshape(feat.shape[0], HEADS * DH)


def _forward(inputs, structure, W_ih, b_ih, W_hh, b_hh, Wa, ba, W1, b1, W2, Wv):
    data, pos, L = _pad(inputs, structure)
    Bd = data.shape[0]
    results = jnp.zeros((Bd, L, H), data.dtype)
    angs = jnp.zeros((Bd, L, 3), data.dtype)
    poss = jnp.zeros((Bd, L, 3, 3), data.dtype)
    state = jnp.zeros((Bd, H), data.dtype)
    context = jnp.zeros((Bd, C), data.dtype)

    x = jnp.concatenate([data[:, 0], context], axis=1)
    state = _gru(x, state, W_ih, b_ih, W_hh, b_hh)
    angle = jnp.pi * jnp.tanh(state @ Wa + ba)
    tert = _position_lookup(angle, jnp.zeros((Bd, 3), angle.dtype))
    results = results.at[:, 0].set(state)
    angs = angs.at[:, 0].set(angle)
    poss = poss.at[:, 0].set(tert)

    def body(idx, carry):
        results, angs, poss, state, context = carry
        x = jnp.concatenate([data[:, idx], context], axis=1)
        state = _gru(x, state, W_ih, b_ih, W_hh, b_hh)
        angle = jnp.pi * jnp.tanh(state @ Wa + ba)
        base = poss[:, idx - 1, 2, :]
        tert = _position_lookup(angle, base)
        results = results.at[:, idx].set(state)
        angs = angs.at[:, idx].set(angle)
        poss = poss.at[:, idx].set(tert)
        last = poss[:, idx - 1]
        ca = poss[:, :, 1, :]
        d = jnp.linalg.norm(ca - last[:, None, 1, :], axis=-1)
        mask = (jnp.arange(L)[None, :] < idx) & (d <= RADIUS)
        ndist = jnp.linalg.norm(last[:, None, :, :] - poss, axis=2)
        feat = jnp.concatenate([results, data, angs, ndist], axis=-1)
        context = _mil(feat, mask, W1, b1, W2, Wv)
        return results, angs, poss, state, context

    results, angs, poss, state, context = jax.lax.fori_loop(
        1, L, body, (results, angs, poss, state, context)
    )
    pos_flat = poss[structure, pos]
    ang_flat = angs[structure, pos]
    return pos_flat, ang_flat


def reference(inputs, structure, W_ih, b_ih, W_hh, b_hh, Wa, ba, W1, b1, W2, Wv):
    return _forward(inputs, structure, W_ih, b_ih, W_hh, b_hh, Wa, ba, W1, b1, W2, Wv)

if __name__ == "__main__":
    import jax
    _d = setup_inputs()
    print(jax.jit(kernel)(*tuple(_d.values())))

</pallas_src>

<mosaic_0001>
module attributes {stable_mosaic.version = 14 : i64} {
  func.func @_rnn_kernel(%arg0: memref<17xi32, #tpu.memory_space<smem>>, %arg1: memref<256x128xf32, #tpu.memory_space<vmem>>, %arg2: memref<8x1xi32, #tpu.memory_space<vmem>>, %arg3: memref<928x800xf32, #tpu.memory_space<vmem>>, %arg4: memref<928x800xf32, #tpu.memory_space<vmem>>, %arg5: memref<928x800xf32, #tpu.memory_space<vmem>>, %arg6: memref<1x2400xf32, #tpu.memory_space<vmem>>, %arg7: memref<800x800xf32, #tpu.memory_space<vmem>>, %arg8: memref<800x800xf32, #tpu.memory_space<vmem>>, %arg9: memref<800x800xf32, #tpu.memory_space<vmem>>, %arg10: memref<1x2400xf32, #tpu.memory_space<vmem>>, %arg11: memref<800x3xf32, #tpu.memory_space<vmem>>, %arg12: memref<1x3xf32, #tpu.memory_space<vmem>>, %arg13: memref<934x128xf32, #tpu.memory_space<vmem>>, %arg14: memref<1x128xf32, #tpu.memory_space<vmem>>, %arg15: memref<128x8xf32, #tpu.memory_space<vmem>>, %arg16: memref<1x8xf32, #tpu.memory_space<vmem>>, %arg17: memref<934x800xf32, #tpu.memory_space<vmem>>, %arg18: memref<256x9xf32, #tpu.memory_space<vmem>>, %arg19: memref<256x3xf32, #tpu.memory_space<vmem>>, %arg20: memref<256x8x9xf32, #tpu.memory_space<vmem>>, %arg21: memref<256x8x800xf32, #tpu.memory_space<vmem>>, %arg22: memref<256x8x128xf32, #tpu.memory_space<vmem>>) attributes {dimension_semantics = [], scalar_prefetch = 0 : i64, scratch_operands = 3 : i64, tpu.core_type = #tpu.core_type<tc>} {
    %broadcast_in_dim3A = arith.constant 0.000000e+00 : f32
    %broadcast_in_dim3A_0 = vector.broadcast %broadcast_in_dim3A : f32 to vector<256x8x9xf32>
    %swap3A = arith.constant 0 : index
    %swap3A_1 = arith.constant 0 : index
    %swap3A_2 = arith.constant 0 : index
    %swap3A_3 = vector.load %arg20[%swap3A, %swap3A_1, %swap3A_2] : memref<256x8x9xf32, #tpu.memory_space<vmem>>, vector<256x8x9xf32>
    tpu.vector_store %arg20[%swap3A, %swap3A_1, %swap3A_2], %broadcast_in_dim3A_0 {strides = array<i32>} : memref<256x8x9xf32, #tpu.memory_space<vmem>>, vector<256x8x9xf32>,
    %broadcast_in_dim3A_4 = arith.constant 0.000000e+00 : f32
    %broadcast_in_dim3A_5 = vector.broadcast %broadcast_in_dim3A_4 : f32 to vector<256x8x800xf32>
    %swap3A_6 = arith.constant 0 : index
    %swap3A_7 = arith.constant 0 : index
    %swap3A_8 = arith.constant 0 : index
    %swap3A_9 = vector.load %arg21[%swap3A_6, %swap3A_7, %swap3A_8] : memref<256x8x800xf32, #tpu.memory_space<vmem>>, vector<256x8x800xf32>
    tpu.vector_store %arg21[%swap3A_6, %swap3A_7, %swap3A_8], %broadcast_in_dim3A_5 {strides = array<i32>} : memref<256x8x800xf32, #tpu.memory_space<vmem>>, vector<256x8x800xf32>,
    %broadcast_in_dim3A_10 = arith.constant 0.000000e+00 : f32
    %broadcast_in_dim3A_11 = vector.broadcast %broadcast_in_dim3A_10 : f32 to vector<256x8x128xf32>
    %swap3A_12 = arith.constant 0 : index
    %swap3A_13 = arith.constant 0 : index
    %swap3A_14 = arith.constant 0 : index
    %swap3A_15 = vector.load %arg22[%swap3A_12, %swap3A_13, %swap3A_14] : memref<256x8x128xf32, #tpu.memory_space<vmem>>, vector<256x8x128xf32>
    tpu.vector_store %arg22[%swap3A_12, %swap3A_13, %swap3A_14], %broadcast_in_dim3A_11 {strides = array<i32>} : memref<256x8x128xf32, #tpu.memory_space<vmem>>, vector<256x8x128xf32>,
    %iota3A = tpu.iota {dimensions = array<i32: 1>} : vector<8x800xi32>
    %jit3A = arith.constant 100 : i32
    %div3A = vector.broadcast %jit3A : i32 to vector<8x800xi32>
    %div3A_16 = arith.divsi %iota3A, %div3A : vector<8x800xi32>
    %sign3A = arith.constant 0 : i32
    %sign3A_17 = vector.broadcast %sign3A : i32 to vector<8x800xi32>
    %sign3A_18 = arith.cmpi sgt, %iota3A, %sign3A_17 : vector<8x800xi32>
    %sign3A_19 = arith.extui %sign3A_18 : vector<8x800xi1> to vector<8x800xi32>
    %sign3A_20 = arith.constant 0 : i32
    %sign3A_21 = vector.broadcast %sign3A_20 : i32 to vector<8x800xi32>
    %sign3A_22 = arith.cmpi slt, %iota3A, %sign3A_21 : vector<8x800xi32>
    %sign3A_23 = arith.extui %sign3A_22 : vector<8x800xi1> to vector<8x800xi32>
    %sign3A_24 = arith.subi %sign3A_19, %sign3A_23 : vector<8x800xi32>
    %sign3A_25 = arith.constant 0 : i32
    %sign3A_26 = arith.cmpi sgt, %jit3A, %sign3A_25 : i32
    %sign3A_27 = arith.extui %sign3A_26 : i1 to i32
    %sign3A_28 = arith.constant 0 : i32
    %sign3A_29 = arith.cmpi slt, %jit3A, %sign3A_28 : i32
    %sign3A_30 = arith.extui %sign3A_29 : i1 to i32
    %sign3A_31 = arith.subi %sign3A_27, %sign3A_30 : i32
    %ne3A = vector.broadcast %sign3A_31 : i32 to vector<8x800xi32>
    %ne3A_32 = arith.cmpi ne, %sign3A_24, %ne3A : vector<8x800xi32>
    %rem3A = vector.broadcast %jit3A : i32 to vector<8x800xi32>
    %rem3A_33 = arith.remsi %iota3A, %rem3A : vector<8x800xi32>
    %ne3A_34 = arith.constant 0 : i32
    %ne3A_35 = vector.broadcast %ne3A_34 : i32 to vector<8x800xi32>
    %ne3A_36 = arith.cmpi ne, %rem3A_33, %ne3A_35 : vector<8x800xi32>
    %and3A = arith.andi %ne3A_32, %ne3A_36 : vector<8x800xi1>
    %sub3A = arith.constant 1 : i32
    %sub3A_37 = vector.broadcast %sub3A : i32 to vector<8x800xi32>
    %sub3A_38 = arith.subi %div3A_16, %sub3A_37 : vector<8x800xi32>
    %select_n3A = arith.select %and3A, %sub3A_38, %div3A_16 : vector<8x800xi1>, vector<8x800xi32>
    %iota3A_39 = tpu.iota {dimensions = array<i32: 0>} : vector<8x800xi32>
    %eq3A = arith.cmpi eq, %select_n3A, %iota3A_39 : vector<8x800xi32>
    %convert_element_type3A = arith.extui %eq3A : vector<8x800xi1> to vector<8x800xi32>
    %convert_element_type3A_40 = arith.sitofp %convert_element_type3A : vector<8x800xi32> to vector<8x800xf32>
    %iota3A_41 = tpu.iota {dimensions = array<i32: 1>} : vector<8x512xi32>
    %jit3A_42 = arith.constant 8 : i32
    %eq3A_43 = arith.constant 0 : i32
    %eq3A_44 = arith.cmpi eq, %jit3A_42, %eq3A_43 : i32
    %jit3A_45 = arith.constant 1 : i32
    %select_n3A_46 = arith.select %eq3A_44, %jit3A_45, %jit3A_42 : i32
    %rem3A_47 = vector.broadcast %select_n3A_46 : i32 to vector<8x512xi32>
    %rem3A_48 = arith.remsi %iota3A_41, %rem3A_47 : vector<8x512xi32>
    %ne3A_49 = arith.constant 0 : i32
    %ne3A_50 = vector.broadcast %ne3A_49 : i32 to vector<8x512xi32>
    %ne3A_51 = arith.cmpi ne, %rem3A_48, %ne3A_50 : vector<8x512xi32>
    %lt3A = arith.constant 0 : i32
    %lt3A_52 = vector.broadcast %lt3A : i32 to vector<8x512xi32>
    %lt3A_53 = arith.cmpi slt, %rem3A_48, %lt3A_52 : vector<8x512xi32>
    %lt3A_54 = arith.constant 0 : i32
    %lt3A_55 = arith.cmpi slt, %select_n3A_46, %lt3A_54 : i32
    %ne3A_56 = vector.broadcast %lt3A_55 : i1 to vector<8x512xi1>
    %ne3A_57 = vector.broadcast %ne3A_56 : vector<8x512xi1> to vector<8x512xi1>
    %ne3A_58 = arith.xori %lt3A_53, %ne3A_57 : vector<8x512xi1>
    %and3A_59 = arith.andi %ne3A_58, %ne3A_51 : vector<8x512xi1>
    %add3A = vector.broadcast %select_n3A_46 : i32 to vector<8x512xi32>
    %add3A_60 = arith.addi %rem3A_48, %add3A : vector<8x512xi32>
    %select_n3A_61 = arith.select %and3A_59, %add3A_60, %rem3A_48 : vector<8x512xi1>, vector<8x512xi32>
    %iota3A_62 = tpu.iota {dimensions = array<i32: 0>} : vector<8x512xi32>
    %eq3A_63 = arith.cmpi eq, %select_n3A_61, %iota3A_62 : vector<8x512xi32>
    %convert_element_type3A_64 = arith.extui %eq3A_63 : vector<8x512xi1> to vector<8x512xi32>
    %convert_element_type3A_65 = arith.sitofp %convert_element_type3A_64 : vector<8x512xi32> to vector<8x512xf32>
    %iota3A_66 = tpu.iota {dimensions = array<i32: 0>} : vector<64x8x1xi32>
    %get3A = arith.constant 0 : index
    %get3A_67 = arith.constant 0 : index
    %get3A_68 = vector.load %arg6[%get3A, %get3A_67] : memref<1x2400xf32, #tpu.memory_space<vmem>>, vector<1x2400xf32>
    %get3A_69 = arith.constant 0 : index
    %get3A_70 = arith.constant 0 : index
    %get3A_71 = vector.load %arg10[%get3A_69, %get3A_70] : memref<1x2400xf32, #tpu.memory_space<vmem>>, vector<1x2400xf32>
    %get3A_72 = arith.constant 0 : index
    %get3A_73 = arith.constant 0 : index
    %get3A_74 = vector.load %arg15[%get3A_72, %get3A_73] : memref<128x8xf32, #tpu.memory_space<vmem>>, vector<128x8xf32>
    %get3A_75 = arith.constant 0 : index
    %get3A_76 = arith.constant 0 : index
    %get3A_77 = vector.load %arg16[%get3A_75, %get3A_76] : memref<1x8xf32, #tpu.memory_space<vmem>>, vector<1x8xf32>
    %get3A_78 = arith.constant 0 : index
    %get3A_79 = arith.constant 0 : index
    %get3A_80 = vector.load %arg14[%get3A_78, %get3A_79] : memref<1x128xf32, #tpu.memory_space<vmem>>, vector<1x128xf32>
    %get3A_81 = arith.constant 0 : index
    %get3A_82 = arith.constant 0 : index
    %get3A_83 = vector.load %arg12[%get3A_81, %get3A_82] : memref<1x3xf32, #tpu.memory_space<vmem>>, vector<1x3xf32>
    %get3A_84 = arith.constant 931 : index
    %get3A_85 = arith.constant 0 : index
    %get3A_86 = vector.load %arg13[%get3A_84, %get3A_85] : memref<934x128xf32, #tpu.memory_space<vmem>>, vector<3x128xf32>
    %get3A_87 = arith.constant 931 : index
    %get3A_88 = arith.constant 0 : index
    %get3A_89 = vector.load %arg17[%get3A_87, %get3A_88] : memref<934x800xf32, #tpu.memory_space<vmem>>, vector<3x800xf32>
    %broadcast_in_dim3A_90 = arith.constant 0.000000e+00 : f32
    %broadcast_in_dim3A_91 = vector.broadcast %broadcast_in_dim3A_90 : f32 to vector<8x800xf32>
    %broadcast_in_dim3A_92 = arith.constant 0.000000e+00 : f32
    %broadcast_in_dim3A_93 = vector.broadcast %broadcast_in_dim3A_92 : f32 to vector<8x800xf32>
    %get3A_94 = arith.constant 0 : index
    %get3A_95 = memref.load %arg0[%get3A_94] : memref<17xi32, #tpu.memory_space<smem>>
    %while3A = arith.constant 0 : i32
    %while3A_96 = arith.subi %get3A_95, %while3A : i32
    %while3A_97 = arith.addi %while3A, %while3A_96 : i32
    %while3A_98 = arith.constant 1 : i32
    %while3A_99 = arith.divsi %while3A_96, %while3A_98 : i32
    %while3A_100 = arith.muli %while3A_99, %while3A_98 : i32
    %while3A_101 = arith.addi %while3A, %while3A_100 : i32
    %while3A_102 = arith.constant 1 : i32
    %while3A_103:2 = scf.for %while3A_106 = %while3A to %while3A_101 step %while3A_102 iter_args(%while3A_107 = %broadcast_in_dim3A_91, %while3A_108 = %broadcast_in_dim3A_93) -> (vector<8x800xf32>, vector<8x800xf32>)  : i32 {
      %sub3A_109 = arith.constant 1 : i32
      %sub3A_110 = arith.subi %while3A_106, %sub3A_109 : i32
      %max3A = arith.constant 0 : i32
      %max3A_111 = arith.maxsi %sub3A_110, %max3A : i32
      %get3A_112 = arith.index_cast %max3A_111 : i32 to index
      %get3A_113 = arith.constant 0 : index
      %get3A_114 = arith.constant 0 : index
      %get3A_115 = vector.load %arg20[%get3A_112, %get3A_113, %get3A_114] : memref<256x8x9xf32, #tpu.memory_space<vmem>>, vector<1x8x9xf32>
      %get3A_116 = vector.shape_cast %get3A_115 : vector<1x8x9xf32> to vector<8x9xf32>
      %eq3A_117 = arith.constant 0 : i32
      %eq3A_118 = arith.cmpi eq, %while3A_106, %eq3A_117 : i32
      %broadcast_in_dim3A_119 = arith.constant 0.000000e+00 : f32
      %broadcast_in_dim3A_120 = vector.broadcast %broadcast_in_dim3A_119 : f32 to vector<8x3xf32>
      %slice3A = vector.extract_strided_slice %get3A_116 {offsets = [0, 6], sizes = [8, 3], strides = [1, 1]} : vector<8x9xf32> to vector<8x3xf32>
      %select_n3A_121 = arith.select %eq3A_118, %broadcast_in_dim3A_120, %slice3A : vector<8x3xf32>
      %add3A_122 = arith.constant 64 : i32
      %add3A_123 = arith.addi %while3A_106, %add3A_122 : i32
      %sub3A_124 = arith.constant 1 : i32
      %sub3A_125 = arith.subi %add3A_123, %sub3A_124 : i32
      %jit3A_126 = arith.constant 64 : i32
      %div3A_127 = arith.divsi %sub3A_125, %jit3A_126 : i32
      %sign3A_128 = arith.constant 0 : i32
      %sign3A_129 = arith.cmpi sgt, %sub3A_125, %sign3A_128 : i32
      %sign3A_130 = arith.extui %sign3A_129 : i1 to i32
      %sign3A_131 = arith.constant 0 : i32
      %sign3A_132 = arith.cmpi slt, %sub3A_125, %sign3A_131 : i32
      %sign3A_133 = arith.extui %sign3A_132 : i1 to i32
      %sign3A_134 = arith.subi %sign3A_130, %sign3A_133 : i32
      %sign3A_135 = arith.constant 0 : i32
      %sign3A_136 = arith.cmpi sgt, %jit3A_126, %sign3A_135 : i32
      %sign3A_137 = arith.extui %sign3A_136 : i1 to i32
      %sign3A_138 = arith.constant 0 : i32
      %sign3A_139 = arith.cmpi slt, %jit3A_126, %sign3A_138 : i32
      %sign3A_140 = arith.extui %sign3A_139 : i1 to i32
      %sign3A_141 = arith.subi %sign3A_137, %sign3A_140 : i32
      %ne3A_142 = arith.cmpi ne, %sign3A_134, %sign3A_141 : i32
      %rem3A_143 = arith.remsi %sub3A_125, %jit3A_126 : i32
      %ne3A_144 = arith.constant 0 : i32
      %ne3A_145 = arith.cmpi ne, %rem3A_143, %ne3A_144 : i32
      %and3A_146 = arith.andi %ne3A_142, %ne3A_145 : i1
      %sub3A_147 = arith.constant 1 : i32
      %sub3A_148 = arith.subi %div3A_127, %sub3A_147 : i32
      %select_n3A_149 = arith.select %and3A_146, %sub3A_148, %div3A_127 : i32
      %broadcast_in_dim3A_150 = arith.constant 0.000000e+00 : f32
      %broadcast_in_dim3A_151 = vector.broadcast %broadcast_in_dim3A_150 : f32 to vector<8x800xf32>
      %broadcast_in_dim3A_152 = arith.constant 0.000000e+00 : f32
      %broadcast_in_dim3A_153 = vector.broadcast %broadcast_in_dim3A_152 : f32 to vector<8x8xf32>
      %while3A_154 = arith.constant 0 : i32
      %while3A_155 = arith.subi %select_n3A_149, %while3A_154 : i32
      %while3A_156 = arith.addi %while3A_154, %while3A_155 : i32
      %while3A_157 = arith.constant 1 : i32
      %while3A_158 = arith.divsi %while3A_155, %while3A_157 : i32
      %while3A_159 = arith.muli %while3A_158, %while3A_157 : i32
      %while3A_160 = arith.addi %while3A_154, %while3A_159 : i32
      %while3A_161 = arith.constant 1 : i32
      %while3A_162:2 = scf.for %while3A_445 = %while3A_154 to %while3A_160 step %while3A_161 iter_args(%while3A_446 = %broadcast_in_dim3A_151, %while3A_447 = %broadcast_in_dim3A_153) -> (vector<8x800xf32>, vector<8x8xf32>)  : i32 {
        %mul3A_448 = arith.constant 64 : i32
        %mul3A_449 = arith.muli %while3A_445, %mul3A_448 : i32
        %get3A_450 = arith.index_cast %mul3A_449 : i32 to index
        %get3A_451 = arith.constant 0 : index
        %get3A_452 = arith.constant 0 : index
        %get3A_453 = vector.load %arg20[%get3A_450, %get3A_451, %get3A_452] : memref<256x8x9xf32, #tpu.memory_space<vmem>>, vector<64x8x9xf32>
        %broadcast_in_dim3A_454 = vector.shape_cast %get3A_116 : vector<8x9xf32> to vector<1x8x9xf32>
        %sub3A_455 = vector.broadcast %broadcast_in_dim3A_454 : vector<1x8x9xf32> to vector<64x8x9xf32>
        %sub3A_456 = arith.subf %get3A_453, %sub3A_455 : vector<64x8x9xf32>
        %mul3A_457 = arith.mulf %sub3A_456, %sub3A_456 : vector<64x8x9xf32>
        %slice3A_458 = vector.extract_strided_slice %mul3A_457 {offsets = [0, 0, 0], sizes = [64, 8, 3], strides = [1, 1, 1]} : vector<64x8x9xf32> to vector<64x8x3xf32>
        %slice3A_459 = vector.extract_strided_slice %mul3A_457 {offsets = [0, 0, 3], sizes = [64, 8, 3], strides = [1, 1, 1]} : vector<64x8x9xf32> to vector<64x8x3xf32>
        %add3A_460 = arith.addf %slice3A_458, %slice3A_459 : vector<64x8x3xf32>
        %slice3A_461 = vector.extract_strided_slice %mul3A_457 {offsets = [0, 0, 6], sizes = [64, 8, 3], strides = [1, 1, 1]} : vector<64x8x9xf32> to vector<64x8x3xf32>
        %add3A_462 = arith.addf %add3A_460, %slice3A_461 : vector<64x8x3xf32>
        %sqrt3A = math.sqrt %add3A_462 : vector<64x8x3xf32>
        %reshape3A = vector.shape_cast %sqrt3A : vector<64x8x3xf32> to vector<512x3xf32>
        %slice3A_463 = vector.extract_strided_slice %mul3A_457 {offsets = [0, 0, 3], sizes = [64, 8, 3], strides = [1, 1, 1]} : vector<64x8x9xf32> to vector<64x8x3xf32>
        %reduce_sum3A = arith.constant dense<0.000000e+00> : vector<64x8xf32>
        %reduce_sum3A_464 = vector.multi_reduction <add>, %slice3A_463, %reduce_sum3A [2] : vector<64x8x3xf32> to vector<64x8xf32>
        %broadcast_in_dim3A_465 = vector.shape_cast %reduce_sum3A_464 : vector<64x8xf32> to vector<64x8x1xf32>
        %mul3A_466 = arith.constant 64 : i32
        %mul3A_467 = arith.muli %while3A_445, %mul3A_466 : i32
        %add3A_468 = vector.broadcast %mul3A_467 : i32 to vector<64x8x1xi32>
        %add3A_469 = arith.addi %add3A_468, %iota3A_66 : vector<64x8x1xi32>
        %lt3A_470 = vector.broadcast %while3A_106 : i32 to vector<64x8x1xi32>
        %lt3A_471 = arith.cmpi slt, %add3A_469, %lt3A_470 : vector<64x8x1xi32>
        %le3A = arith.constant 6.400000e+01 : f32
        %le3A_472 = vector.broadcast %le3A : f32 to vector<64x8x1xf32>
        %le3A_473 = arith.cmpf ole, %broadcast_in_dim3A_465, %le3A_472 : vector<64x8x1xf32>
        %and3A_474 = arith.andi %lt3A_471, %le3A_473 : vector<64x8x1xi1>
        %convert_element_type3A_475 = arith.extui %and3A_474 : vector<64x8x1xi1> to vector<64x8x1xi32>
        %convert_element_type3A_476 = arith.sitofp %convert_element_type3A_475 : vector<64x8x1xi32> to vector<64x8x1xf32>
        %reshape3A_477 = vector.shape_cast %convert_element_type3A_476 : vector<64x8x1xf32> to vector<512x1xf32>
        %mul3A_478 = arith.constant 64 : i32
        %mul3A_479 = arith.muli %while3A_445, %mul3A_478 : i32
        %get3A_480 = arith.index_cast %mul3A_479 : i32 to index
        %get3A_481 = arith.constant 0 : index
        %get3A_482 = arith.constant 0 : index
        %get3A_483 = vector.load %arg22[%get3A_480, %get3A_481, %get3A_482] : memref<256x8x128xf32, #tpu.memory_space<vmem>>, vector<64x8x128xf32>
        %reshape3A_484 = vector.shape_cast %get3A_483 : vector<64x8x128xf32> to vector<512x128xf32>
        %dot_general3A_485 = arith.constant dense<0.000000e+00> : vector<512x128xf32>
        %dot_general3A_486 = tpu.matmul %reshape3A, %get3A_86, %dot_general3A_485 {dimension_numbers = #tpu.dot_dimension_numbers<[1], [0], [0], [1], [0, 0, 1, 1], [], []>, transpose_lhs_hint = false} : vector<512x3xf32>, vector<3x128xf32>, vector<512x128xf32> -> vector<512x128xf32>
        %add3A_487 = arith.addf %reshape3A_484, %dot_general3A_486 : vector<512x128xf32>
        %tanh3A_488 = math.tanh %add3A_487 : vector<512x128xf32>
        %dot_general3A_489 = arith.constant dense<0.000000e+00> : vector<512x8xf32>
        %dot_general3A_490 = tpu.matmul %tanh3A_488, %get3A_74, %dot_general3A_489 {dimension_numbers = #tpu.dot_dimension_numbers<[1], [0], [0], [1], [0, 0, 1, 1], [], []>, transpose_lhs_hint = false} : vector<512x128xf32>, vector<128x8xf32>, vector<512x8xf32> -> vector<512x8xf32>
        %sub3A_491 = vector.broadcast %get3A_77 : vector<1x8xf32> to vector<512x8xf32>
        %sub3A_492 = arith.subf %dot_general3A_490, %sub3A_491 : vector<512x8xf32>
        %exp3A = math.exp %sub3A_492 : vector<512x8xf32>
        %mul3A_493 = vector.broadcast %reshape3A_477 : vector<512x1xf32> to vector<512x8xf32>
        %mul3A_494 = arith.mulf %exp3A, %mul3A_493 : vector<512x8xf32>
        %dot_general3A_495 = arith.constant dense<0.000000e+00> : vector<8x8xf32>
        %dot_general3A_496 = tpu.matmul %convert_element_type3A_65, %mul3A_494, %dot_general3A_495 {dimension_numbers = #tpu.dot_dimension_numbers<[1], [0], [0], [1], [0, 0, 1, 1], [], []>, transpose_lhs_hint = false} : vector<8x512xf32>, vector<512x8xf32>, vector<8x8xf32> -> vector<8x8xf32>
        %add3A_497 = arith.addf %while3A_447, %dot_general3A_496 : vector<8x8xf32>
        %dot_general3A_498 = arith.constant dense<0.000000e+00> : vector<512x800xf32>
        %dot_general3A_499 = tpu.matmul %mul3A_494, %convert_element_type3A_40, %dot_general3A_498 {dimension_numbers = #tpu.dot_dimension_numbers<[1], [0], [0], [1], [0, 0, 1, 1], [], []>, transpose_lhs_hint = false} : vector<512x8xf32>, vector<8x800xf32>, vector<512x800xf32> -> vector<512x800xf32>
        %mul3A_500 = arith.constant 64 : i32
        %mul3A_501 = arith.muli %while3A_445, %mul3A_500 : i32
        %get3A_502 = arith.index_cast %mul3A_501 : i32 to index
        %get3A_503 = arith.constant 0 : index
        %get3A_504 = arith.constant 0 : index
        %get3A_505 = vector.load %arg21[%get3A_502, %get3A_503, %get3A_504] : memref<256x8x800xf32, #tpu.memory_space<vmem>>, vector<64x8x800xf32>
        %reshape3A_506 = vector.shape_cast %get3A_505 : vector<64x8x800xf32> to vector<512x800xf32>
        %dot_general3A_507 = arith.constant dense<0.000000e+00> : vector<512x800xf32>
        %dot_general3A_508 = tpu.matmul %reshape3A, %get3A_89, %dot_general3A_507 {dimension_numbers = #tpu.dot_dimension_numbers<[1], [0], [0], [1], [0, 0, 1, 1], [], []>, transpose_lhs_hint = false} : vector<512x3xf32>, vector<3x800xf32>, vector<512x800xf32> -> vector<512x800xf32>
        %add3A_509 = arith.addf %reshape3A_506, %dot_general3A_508 : vector<512x800xf32>
        %mul3A_510 = arith.mulf %dot_general3A_499, %add3A_509 : vector<512x800xf32>
        %dot_general3A_511 = arith.constant dense<0.000000e+00> : vector<8x800xf32>
        %dot_general3A_512 = tpu.matmul %convert_element_type3A_65, %mul3A_510, %dot_general3A_511 {dimension_numbers = #tpu.dot_dimension_numbers<[1], [0], [0], [1], [0, 0, 1, 1], [], []>, transpose_lhs_hint = false} : vector<8x512xf32>, vector<512x800xf32>, vector<8x800xf32> -> vector<8x800xf32>
        %add3A_513 = arith.addf %while3A_446, %dot_general3A_512 : vector<8x800xf32>
        scf.yield %add3A_513, %add3A_497 : vector<8x800xf32>, vector<8x8xf32>
      }
      %while3A_163 = arith.constant 1 : i32
      %while3A_164:2 = scf.for %while3A_445 = %while3A_160 to %while3A_156 step %while3A_163 iter_args(%while3A_446 = %while3A_162#0, %while3A_447 = %while3A_162#1) -> (vector<8x800xf32>, vector<8x8xf32>)  : i32 {
        %mul3A_448 = arith.constant 64 : i32
        %mul3A_449 = arith.muli %while3A_445, %mul3A_448 : i32
        %get3A_450 = arith.index_cast %mul3A_449 : i32 to index
        %get3A_451 = arith.constant 0 : index
        %get3A_452 = arith.constant 0 : index
        %get3A_453 = vector.load %arg20[%get3A_450, %get3A_451, %get3A_452] : memref<256x8x9xf32, #tpu.memory_space<vmem>>, vector<64x8x9xf32>
        %broadcast_in_dim3A_454 = vector.shape_cast %get3A_116 : vector<8x9xf32> to vector<1x8x9xf32>
        %sub3A_455 = vector.broadcast %broadcast_in_dim3A_454 : vector<1x8x9xf32> to vector<64x8x9xf32>
        %sub3A_456 = arith.subf %get3A_453, %sub3A_455 : vector<64x8x9xf32>
        %mul3A_457 = arith.mulf %sub3A_456, %sub3A_456 : vector<64x8x9xf32>
        %slice3A_458 = vector.extract_strided_slice %mul3A_457 {offsets = [0, 0, 0], sizes = [64, 8, 3], strides = [1, 1, 1]} : vector<64x8x9xf32> to vector<64x8x3xf32>
        %slice3A_459 = vector.extract_strided_slice %mul3A_457 {offsets = [0, 0, 3], sizes = [64, 8, 3], strides = [1, 1, 1]} : vector<64x8x9xf32> to vector<64x8x3xf32>
        %add3A_460 = arith.addf %slice3A_458, %slice3A_459 : vector<64x8x3xf32>
        %slice3A_461 = vector.extract_strided_slice %mul3A_457 {offsets = [0, 0, 6], sizes = [64, 8, 3], strides = [1, 1, 1]} : vector<64x8x9xf32> to vector<64x8x3xf32>
        %add3A_462 = arith.addf %add3A_460, %slice3A_461 : vector<64x8x3xf32>
        %sqrt3A = math.sqrt %add3A_462 : vector<64x8x3xf32>
        %reshape3A = vector.shape_cast %sqrt3A : vector<64x8x3xf32> to vector<512x3xf32>
        %slice3A_463 = vector.extract_strided_slice %mul3A_457 {offsets = [0, 0, 3], sizes = [64, 8, 3], strides = [1, 1, 1]} : vector<64x8x9xf32> to vector<64x8x3xf32>
        %reduce_sum3A = arith.constant dense<0.000000e+00> : vector<64x8xf32>
        %reduce_sum3A_464 = vector.multi_reduction <add>, %slice3A_463, %reduce_sum3A [2] : vector<64x8x3xf32> to vector<64x8xf32>
        %broadcast_in_dim3A_465 = vector.shape_cast %reduce_sum3A_464 : vector<64x8xf32> to vector<64x8x1xf32>
        %mul3A_466 = arith.constant 64 : i32
        %mul3A_467 = arith.muli %while3A_445, %mul3A_466 : i32
        %add3A_468 = vector.broadcast %mul3A_467 : i32 to vector<64x8x1xi32>
        %add3A_469 = arith.addi %add3A_468, %iota3A_66 : vector<64x8x1xi32>
        %lt3A_470 = vector.broadcast %while3A_106 : i32 to vector<64x8x1xi32>
        %lt3A_471 = arith.cmpi slt, %add3A_469, %lt3A_470 : vector<64x8x1xi32>
        %le3A = arith.constant 6.400000e+01 : f32
        %le3A_472 = vector.broadcast %le3A : f32 to vector<64x8x1xf32>
        %le3A_473 = arith.cmpf ole, %broadcast_in_dim3A_465, %le3A_472 : vector<64x8x1xf32>
        %and3A_474 = arith.andi %lt3A_471, %le3A_473 : vector<64x8x1xi1>
        %convert_element_type3A_475 = arith.extui %and3A_474 : vector<64x8x1xi1> to vector<64x8x1xi32>
        %convert_element_type3A_476 = arith.sitofp %convert_element_type3A_475 : vector<64x8x1xi32> to vector<64x8x1xf32>
        %reshape3A_477 = vector.shape_cast %convert_element_type3A_476 : vector<64x8x1xf32> to vector<512x1xf32>
        %mul3A_478 = arith.constant 64 : i32
        %mul3A_479 = arith.muli %while3A_445, %mul3A_478 : i32
        %get3A_480 = arith.index_cast %mul3A_479 : i32 to index
        %get3A_481 = arith.constant 0 : index
        %get3A_482 = arith.constant 0 : index
        %get3A_483 = vector.load %arg22[%get3A_480, %get3A_481, %get3A_482] : memref<256x8x128xf32, #tpu.memory_space<vmem>>, vector<64x8x128xf32>
        %reshape3A_484 = vector.shape_cast %get3A_483 : vector<64x8x128xf32> to vector<512x128xf32>
        %dot_general3A_485 = arith.constant dense<0.000000e+00> : vector<512x128xf32>
        %dot_general3A_486 = tpu.matmul %reshape3A, %get3A_86, %dot_general3A_485 {dimension_numbers = #tpu.dot_dimension_numbers<[1], [0], [0], [1], [0, 0, 1, 1], [], []>, transpose_lhs_hint = false} : vector<512x3xf32>, vector<3x128xf32>, vector<512x128xf32> -> vector<512x128xf32>
        %add3A_487 = arith.addf %reshape3A_484, %dot_general3A_486 : vector<512x128xf32>
        %tanh3A_488 = math.tanh %add3A_487 : vector<512x128xf32>
        %dot_general3A_489 = arith.constant dense<0.000000e+00> : vector<512x8xf32>
        %dot_general3A_490 = tpu.matmul %tanh3A_488, %get3A_74, %dot_general3A_489 {dimension_numbers = #tpu.dot_dimension_numbers<[1], [0], [0], [1], [0, 0, 1, 1], [], []>, transpose_lhs_hint = false} : vector<512x128xf32>, vector<128x8xf32>, vector<512x8xf32> -> vector<512x8xf32>
        %sub3A_491 = vector.broadcast %get3A_77 : vector<1x8xf32> to vector<512x8xf32>
        %sub3A_492 = arith.subf %dot_general3A_490, %sub3A_491 : vector<512x8xf32>
        %exp3A = math.exp %sub3A_492 : vector<512x8xf32>
        %mul3A_493 = vector.broadcast %reshape3A_477 : vector<512x1xf32> to vector<512x8xf32>
        %mul3A_494 = arith.mulf %exp3A, %mul3A_493 : vector<512x8xf32>
        %dot_general3A_495 = arith.constant dense<0.000000e+00> : vector<8x8xf32>
        %dot_general3A_496 = tpu.matmul %convert_element_type3A_65, %mul3A_494, %dot_general3A_495 {dimension_numbers = #tpu.dot_dimension_numbers<[1], [0], [0], [1], [0, 0, 1, 1], [], []>, transpose_lhs_hint = false} : vector<8x512xf32>, vector<512x8xf32>, vector<8x8xf32> -> vector<8x8xf32>
        %add3A_497 = arith.addf %while3A_447, %dot_general3A_496 : vector<8x8xf32>
        %dot_general3A_498 = arith.constant dense<0.000000e+00> : vector<512x800xf32>
        %dot_general3A_499 = tpu.matmul %mul3A_494, %convert_element_type3A_40, %dot_general3A_498 {dimension_numbers = #tpu.dot_dimension_numbers<[1], [0], [0], [1], [0, 0, 1, 1], [], []>, transpose_lhs_hint = false} : vector<512x8xf32>, vector<8x800xf32>, vector<512x800xf32> -> vector<512x800xf32>
        %mul3A_500 = arith.constant 64 : i32
        %mul3A_501 = arith.muli %while3A_445, %mul3A_500 : i32
        %get3A_502 = arith.index_cast %mul3A_501 : i32 to index
        %get3A_503 = arith.constant 0 : index
        %get3A_504 = arith.constant 0 : index
        %get3A_505 = vector.load %arg21[%get3A_502, %get3A_503, %get3A_504] : memref<256x8x800xf32, #tpu.memory_space<vmem>>, vector<64x8x800xf32>
        %reshape3A_506 = vector.shape_cast %get3A_505 : vector<64x8x800xf32> to vector<512x800xf32>
        %dot_general3A_507 = arith.constant dense<0.000000e+00> : vector<512x800xf32>
        %dot_general3A_508 = tpu.matmul %reshape3A, %get3A_89, %dot_general3A_507 {dimension_numbers = #tpu.dot_dimension_numbers<[1], [0], [0], [1], [0, 0, 1, 1], [], []>, transpose_lhs_hint = false} : vector<512x3xf32>, vector<3x800xf32>, vector<512x800xf32> -> vector<512x800xf32>
        %add3A_509 = arith.addf %reshape3A_506, %dot_general3A_508 : vector<512x800xf32>
        %mul3A_510 = arith.mulf %dot_general3A_499, %add3A_509 : vector<512x800xf32>
        %dot_general3A_511 = arith.constant dense<0.000000e+00> : vector<8x800xf32>
        %dot_general3A_512 = tpu.matmul %convert_element_type3A_65, %mul3A_510, %dot_general3A_511 {dimension_numbers = #tpu.dot_dimension_numbers<[1], [0], [0], [1], [0, 0, 1, 1], [], []>, transpose_lhs_hint = false} : vector<8x512xf32>, vector<512x800xf32>, vector<8x800xf32> -> vector<8x800xf32>
        %add3A_513 = arith.addf %while3A_446, %dot_general3A_512 : vector<8x800xf32>
        scf.yield %add3A_513, %add3A_497 : vector<8x800xf32>, vector<8x8xf32>
      }
      %dot_general3A = arith.constant dense<0.000000e+00> : vector<8x800xf32>
      %dot_general3A_165 = tpu.matmul %while3A_164#1, %convert_element_type3A_40, %dot_general3A {dimension_numbers = #tpu.dot_dimension_numbers<[1], [0], [0], [1], [0, 0, 1, 1], [], []>, transpose_lhs_hint = false} : vector<8x8xf32>, vector<8x800xf32>, vector<8x800xf32> -> vector<8x800xf32>
      %max3A_166 = arith.constant 1.000000e-30 : f32
      %max3A_167 = vector.broadcast %max3A_166 : f32 to vector<8x800xf32>
      %max3A_168 = arith.maximumf %dot_general3A_165, %max3A_167 : vector<8x800xf32>
      %div3A_169 = arith.divf %while3A_164#0, %max3A_168 : vector<8x800xf32>
      %broadcast_in_dim3A_170 = arith.constant 0.000000e+00 : f32
      %broadcast_in_dim3A_171 = vector.broadcast %broadcast_in_dim3A_170 : f32 to vector<8x800xf32>
      %select_n3A_172 = arith.select %eq3A_118, %broadcast_in_dim3A_171, %div3A_169 : vector<8x800xf32>
      %get3A_173 = arith.constant 1 : index
      %get3A_174 = memref.load %arg0[%get3A_173] : memref<17xi32, #tpu.memory_space<smem>>
      %add3A_175 = arith.addi %get3A_174, %while3A_106 : i32
      %min3A = arith.constant 255 : i32
      %min3A_176 = arith.minsi %add3A_175, %min3A : i32
      %get3A_177 = arith.index_cast %min3A_176 : i32 to index
      %get3A_178 = arith.constant 0 : index
      %get3A_179 = vector.load %arg1[%get3A_177, %get3A_178] : memref<256x128xf32, #tpu.memory_space<vmem>>, vector<1x128xf32>
      %get3A_180 = arith.constant 2 : index
      %get3A_181 = memref.load %arg0[%get3A_180] : memref<17xi32, #tpu.memory_space<smem>>
      %add3A_182 = arith.addi %get3A_181, %while3A_106 : i32
      %min3A_183 = arith.constant 255 : i32
      %min3A_184 = arith.minsi %add3A_182, %min3A_183 : i32
      %get3A_185 = arith.index_cast %min3A_184 : i32 to index
      %get3A_186 = arith.constant 0 : index
      %get3A_187 = vector.load %arg1[%get3A_185, %get3A_186] : memref<256x128xf32, #tpu.memory_space<vmem>>, vector<1x128xf32>
      %get3A_188 = arith.constant 3 : index
      %get3A_189 = memref.load %arg0[%get3A_188] : memref<17xi32, #tpu.memory_space<smem>>
      %add3A_190 = arith.addi %get3A_189, %while3A_106 : i32
      %min3A_191 = arith.constant 255 : i32
      %min3A_192 = arith.minsi %add3A_190, %min3A_191 : i32
      %get3A_193 = arith.index_cast %min3A_192 : i32 to index
      %get3A_194 = arith.constant 0 : index
      %get3A_195 = vector.load %arg1[%get3A_193, %get3A_194] : memref<256x128xf32, #tpu.memory_space<vmem>>, vector<1x128xf32>
      %get3A_196 = arith.constant 4 : index
      %get3A_197 = memref.load %arg0[%get3A_196] : memref<17xi32, #tpu.memory_space<smem>>
      %add3A_198 = arith.addi %get3A_197, %while3A_106 : i32
      %min3A_199 = arith.constant 255 : i32
      %min3A_200 = arith.minsi %add3A_198, %min3A_199 : i32
      %get3A_201 = arith.index_cast %min3A_200 : i32 to index
      %get3A_202 = arith.constant 0 : index
      %get3A_203 = vector.load %arg1[%get3A_201, %get3A_202] : memref<256x128xf32, #tpu.memory_space<vmem>>, vector<1x128xf32>
      %get3A_204 = arith.constant 5 : index
      %get3A_205 = memref.load %arg0[%get3A_204] : memref<17xi32, #tpu.memory_space<smem>>
      %add3A_206 = arith.addi %get3A_205, %while3A_106 : i32
      %min3A_207 = arith.constant 255 : i32
      %min3A_208 = arith.minsi %add3A_206, %min3A_207 : i32
      %get3A_209 = arith.index_cast %min3A_208 : i32 to index
      %get3A_210 = arith.constant 0 : index
      %get3A_211 = vector.load %arg1[%get3A_209, %get3A_210] : memref<256x128xf32, #tpu.memory_space<vmem>>, vector<1x128xf32>
      %get3A_212 = arith.constant 6 : index
      %get3A_213 = memref.load %arg0[%get3A_212] : memref<17xi32, #tpu.memory_space<smem>>
      %add3A_214 = arith.addi %get3A_213, %while3A_106 : i32
      %min3A_215 = arith.constant 255 : i32
      %min3A_216 = arith.minsi %add3A_214, %min3A_215 : i32
      %get3A_217 = arith.index_cast %min3A_216 : i32 to index
      %get3A_218 = arith.constant 0 : index
      %get3A_219 = vector.load %arg1[%get3A_217, %get3A_218] : memref<256x128xf32, #tpu.memory_space<vmem>>, vector<1x128xf32>
      %get3A_220 = arith.constant 7 : index
      %get3A_221 = memref.load %arg0[%get3A_220] : memref<17xi32, #tpu.memory_space<smem>>
      %add3A_222 = arith.addi %get3A_221, %while3A_106 : i32
      %min3A_223 = arith.constant 255 : i32
      %min3A_224 = arith.minsi %add3A_222, %min3A_223 : i32
      %get3A_225 = arith.index_cast %min3A_224 : i32 to index
      %get3A_226 = arith.constant 0 : index
      %get3A_227 = vector.load %arg1[%get3A_225, %get3A_226] : memref<256x128xf32, #tpu.memory_space<vmem>>, vector<1x128xf32>
      %get3A_228 = arith.constant 8 : index
      %get3A_229 = memref.load %arg0[%get3A_228] : memref<17xi32, #tpu.memory_space<smem>>
      %add3A_230 = arith.addi %get3A_229, %while3A_106 : i32
      %min3A_231 = arith.constant 255 : i32
      %min3A_232 = arith.minsi %add3A_230, %min3A_231 : i32
      %get3A_233 = arith.index_cast %min3A_232 : i32 to index
      %get3A_234 = arith.constant 0 : index
      %get3A_235 = vector.load %arg1[%get3A_233, %get3A_234] : memref<256x128xf32, #tpu.memory_space<vmem>>, vector<1x128xf32>
      %concatenate3A = tpu.concatenate %get3A_179, %get3A_187, %get3A_195, %get3A_203, %get3A_211, %get3A_219, %get3A_227, %get3A_235 in 0 : vector<1x128xf32>, vector<1x128xf32>, vector<1x128xf32>, vector<1x128xf32>, vector<1x128xf32>, vector<1x128xf32>, vector<1x128xf32>, vector<1x128xf32> -> vector<8x128xf32>
      %get3A_236 = arith.constant 0 : index
      %get3A_237 = arith.constant 0 : index
      %get3A_238 = vector.load %arg2[%get3A_236, %get3A_237] : memref<8x1xi32, #tpu.memory_space<vmem>>, vector<8x1xi32>
      %lt3A_239 = vector.broadcast %while3A_106 : i32 to vector<8x1xi32>
      %lt3A_240 = arith.cmpi slt, %lt3A_239, %get3A_238 : vector<8x1xi32>
      %jit3A_241 = arith.constant 0.000000e+00 : f32
      %broadcast_in_dim3A_242 = vector.shape_cast %lt3A_240 : vector<8x1xi1> to vector<8x1xi1>
      %broadcast_in_dim3A_243 = vector.broadcast %broadcast_in_dim3A_242 : vector<8x1xi1> to vector<8x128xi1>
      %broadcast_in_dim3A_244 = vector.broadcast %jit3A_241 : f32 to vector<8x128xf32>
      %select_n3A_245 = arith.select %broadcast_in_dim3A_243, %concatenate3A, %broadcast_in_dim3A_244 : vector<8x128xi1>, vector<8x128xf32>
      %concatenate3A_246 = tpu.concatenate %select_n3A_245, %while3A_108 in 1 : vector<8x128xf32>, vector<8x800xf32> -> vector<8x928xf32>
      %get3A_247 = arith.constant 0 : index
      %get3A_248 = arith.constant 0 : index
      %get3A_249 = vector.load %arg3[%get3A_247, %get3A_248] : memref<928x800xf32, #tpu.memory_space<vmem>>, vector<928x800xf32>
      %dot_general3A_250 = arith.constant dense<0.000000e+00> : vector<8x800xf32>
      %dot_general3A_251 = tpu.matmul %concatenate3A_246, %get3A_249, %dot_general3A_250 {dimension_numbers = #tpu.dot_dimension_numbers<[1], [0], [0], [1], [0, 0, 1, 1], [], []>, transpose_lhs_hint = false} : vector<8x928xf32>, vector<928x800xf32>, vector<8x800xf32> -> vector<8x800xf32>
      %slice3A_252 = vector.extract_strided_slice %get3A_68 {offsets = [0, 0], sizes = [1, 800], strides = [1, 1]} : vector<1x2400xf32> to vector<1x800xf32>
      %add3A_253 = vector.broadcast %slice3A_252 : vector<1x800xf32> to vector<8x800xf32>
      %add3A_254 = arith.addf %dot_general3A_251, %add3A_253 : vector<8x800xf32>
      %get3A_255 = arith.constant 0 : index
      %get3A_256 = arith.constant 0 : index
      %get3A_257 = vector.load %arg4[%get3A_255, %get3A_256] : memref<928x800xf32, #tpu.memory_space<vmem>>, vector<928x800xf32>
      %dot_general3A_258 = arith.constant dense<0.000000e+00> : vector<8x800xf32>
      %dot_general3A_259 = tpu.matmul %concatenate3A_246, %get3A_257, %dot_general3A_258 {dimension_numbers = #tpu.dot_dimension_numbers<[1], [0], [0], [1], [0, 0, 1, 1], [], []>, transpose_lhs_hint = false} : vector<8x928xf32>, vector<928x800xf32>, vector<8x800xf32> -> vector<8x800xf32>
      %slice3A_260 = vector.extract_strided_slice %get3A_68 {offsets = [0, 800], sizes = [1, 800], strides = [1, 1]} : vector<1x2400xf32> to vector<1x800xf32>
      %add3A_261 = vector.broadcast %slice3A_260 : vector<1x800xf32> to vector<8x800xf32>
      %add3A_262 = arith.addf %dot_general3A_259, %add3A_261 : vector<8x800xf32>
      %get3A_263 = arith.constant 0 : index
      %get3A_264 = arith.constant 0 : index
      %get3A_265 = vector.load %arg5[%get3A_263, %get3A_264] : memref<928x800xf32, #tpu.memory_space<vmem>>, vector<928x800xf32>
      %dot_general3A_266 = arith.constant dense<0.000000e+00> : vector<8x800xf32>
      %dot_general3A_267 = tpu.matmul %concatenate3A_246, %get3A_265, %dot_general3A_266 {dimension_numbers = #tpu.dot_dimension_numbers<[1], [0], [0], [1], [0, 0, 1, 1], [], []>, transpose_lhs_hint = false} : vector<8x928xf32>, vector<928x800xf32>, vector<8x800xf32> -> vector<8x800xf32>
      %slice3A_268 = vector.extract_strided_slice %get3A_68 {offsets = [0, 1600], sizes = [1, 800], strides = [1, 1]} : vector<1x2400xf32> to vector<1x800xf32>
      %add3A_269 = vector.broadcast %slice3A_268 : vector<1x800xf32> to vector<8x800xf32>
      %add3A_270 = arith.addf %dot_general3A_267, %add3A_269 : vector<8x800xf32>
      %get3A_271 = arith.constant 0 : index
      %get3A_272 = arith.constant 0 : index
      %get3A_273 = vector.load %arg7[%get3A_271, %get3A_272] : memref<800x800xf32, #tpu.memory_space<vmem>>, vector<800x800xf32>
      %dot_general3A_274 = arith.constant dense<0.000000e+00> : vector<8x800xf32>
      %dot_general3A_275 = tpu.matmul %while3A_107, %get3A_273, %dot_general3A_274 {dimension_numbers = #tpu.dot_dimension_numbers<[1], [0], [0], [1], [0, 0, 1, 1], [], []>, transpose_lhs_hint = false} : vector<8x800xf32>, vector<800x800xf32>, vector<8x800xf32> -> vector<8x800xf32>
      %slice3A_276 = vector.extract_strided_slice %get3A_71 {offsets = [0, 0], sizes = [1, 800], strides = [1, 1]} : vector<1x2400xf32> to vector<1x800xf32>
      %add3A_277 = vector.broadcast %slice3A_276 : vector<1x800xf32> to vector<8x800xf32>
      %add3A_278 = arith.addf %dot_general3A_275, %add3A_277 : vector<8x800xf32>
      %get3A_279 = arith.constant 0 : index
      %get3A_280 = arith.constant 0 : index
      %get3A_281 = vector.load %arg8[%get3A_279, %get3A_280] : memref<800x800xf32, #tpu.memory_space<vmem>>, vector<800x800xf32>
      %dot_general3A_282 = arith.constant dense<0.000000e+00> : vector<8x800xf32>
      %dot_general3A_283 = tpu.matmul %while3A_107, %get3A_281, %dot_general3A_282 {dimension_numbers = #tpu.dot_dimension_numbers<[1], [0], [0], [1], [0, 0, 1, 1], [], []>, transpose_lhs_hint = false} : vector<8x800xf32>, vector<800x800xf32>, vector<8x800xf32> -> vector<8x800xf32>
      %slice3A_284 = vector.extract_strided_slice %get3A_71 {offsets = [0, 800], sizes = [1, 800], strides = [1, 1]} : vector<1x2400xf32> to vector<1x800xf32>
      %add3A_285 = vector.broadcast %slice3A_284 : vector<1x800xf32> to vector<8x800xf32>
      %add3A_286 = arith.addf %dot_general3A_283, %add3A_285 : vector<8x800xf32>
      %get3A_287 = arith.constant 0 : index
      %get3A_288 = arith.constant 0 : index
      %get3A_289 = vector.load %arg9[%get3A_287, %get3A_288] : memref<800x800xf32, #tpu.memory_space<vmem>>, vector<800x800xf32>
      %dot_general3A_290 = arith.constant dense<0.000000e+00> : vector<8x800xf32>
      %dot_general3A_291 = tpu.matmul %while3A_107, %get3A_289, %dot_general3A_290 {dimension_numbers = #tpu.dot_dimension_numbers<[1], [0], [0], [1], [0, 0, 1, 1], [], []>, transpose_lhs_hint = false} : vector<8x800xf32>, vector<800x800xf32>, vector<8x800xf32> -> vector<8x800xf32>
      %slice3A_292 = vector.extract_strided_slice %get3A_71 {offsets = [0, 1600], sizes = [1, 800], strides = [1, 1]} : vector<1x2400xf32> to vector<1x800xf32>
      %add3A_293 = vector.broadcast %slice3A_292 : vector<1x800xf32> to vector<8x800xf32>
      %add3A_294 = arith.addf %dot_general3A_291, %add3A_293 : vector<8x800xf32>
      %add3A_295 = arith.addf %add3A_254, %add3A_278 : vector<8x800xf32>
      %logistic3A = arith.negf %add3A_295 : vector<8x800xf32>
      %logistic3A_296 = math.exp %logistic3A : vector<8x800xf32>
      %logistic3A_297 = arith.constant 1.000000e+00 : f32
      %logistic3A_298 = vector.broadcast %logistic3A_297 : f32 to vector<8x800xf32>
      %logistic3A_299 = arith.addf %logistic3A_298, %logistic3A_296 : vector<8x800xf32>
      %logistic3A_300 = arith.divf %logistic3A_298, %logistic3A_299 : vector<8x800xf32>
      %add3A_301 = arith.addf %add3A_262, %add3A_286 : vector<8x800xf32>
      %logistic3A_302 = arith.negf %add3A_301 : vector<8x800xf32>
      %logistic3A_303 = math.exp %logistic3A_302 : vector<8x800xf32>
      %logistic3A_304 = arith.constant 1.000000e+00 : f32
      %logistic3A_305 = vector.broadcast %logistic3A_304 : f32 to vector<8x800xf32>
      %logistic3A_306 = arith.addf %logistic3A_305, %logistic3A_303 : vector<8x800xf32>
      %logistic3A_307 = arith.divf %logistic3A_305, %logistic3A_306 : vector<8x800xf32>
      %mul3A = arith.mulf %logistic3A_300, %add3A_294 : vector<8x800xf32>
      %add3A_308 = arith.addf %add3A_270, %mul3A : vector<8x800xf32>
      %tanh3A = math.tanh %add3A_308 : vector<8x800xf32>
      %sub3A_309 = arith.constant 1.000000e+00 : f32
      %sub3A_310 = vector.broadcast %sub3A_309 : f32 to vector<8x800xf32>
      %sub3A_311 = arith.subf %sub3A_310, %logistic3A_307 : vector<8x800xf32>
      %mul3A_312 = arith.mulf %sub3A_311, %tanh3A : vector<8x800xf32>
      %mul3A_313 = arith.mulf %logistic3A_307, %while3A_107 : vector<8x800xf32>
      %add3A_314 = arith.addf %mul3A_312, %mul3A_313 : vector<8x800xf32>
      %get3A_315 = arith.constant 0 : index
      %get3A_316 = arith.constant 0 : index
      %get3A_317 = vector.load %arg11[%get3A_315, %get3A_316] : memref<800x3xf32, #tpu.memory_space<vmem>>, vector<800x3xf32>
      %dot_general3A_318 = arith.constant dense<0.000000e+00> : vector<8x3xf32>
      %dot_general3A_319 = tpu.matmul %add3A_314, %get3A_317, %dot_general3A_318 {dimension_numbers = #tpu.dot_dimension_numbers<[1], [0], [0], [1], [0, 0, 1, 1], [], []>, transpose_lhs_hint = false} : vector<8x800xf32>, vector<800x3xf32>, vector<8x3xf32> -> vector<8x3xf32>
      %add3A_320 = vector.broadcast %get3A_83 : vector<1x3xf32> to vector<8x3xf32>
      %add3A_321 = arith.addf %dot_general3A_319, %add3A_320 : vector<8x3xf32>
      %tanh3A_322 = math.tanh %add3A_321 : vector<8x3xf32>
      %mul3A_323 = arith.constant 3.14159274 : f32
      %mul3A_324 = vector.broadcast %mul3A_323 : f32 to vector<8x3xf32>
      %mul3A_325 = arith.mulf %mul3A_324, %tanh3A_322 : vector<8x3xf32>
      %cos3A = math.cos %mul3A_325 : vector<8x3xf32>
      %sin3A = math.sin %mul3A_325 : vector<8x3xf32>
      %mul3A_326 = arith.mulf %cos3A, %cos3A : vector<8x3xf32>
      %mul3A_327 = arith.mulf %sin3A, %sin3A : vector<8x3xf32>
      %add3A_328 = arith.addf %mul3A_326, %mul3A_327 : vector<8x3xf32>
      %add3A_329 = arith.constant 0.00999999977 : f32
      %add3A_330 = vector.broadcast %add3A_329 : f32 to vector<8x3xf32>
      %add3A_331 = arith.addf %add3A_328, %add3A_330 : vector<8x3xf32>
      %rsqrt3A = math.rsqrt %add3A_331 : vector<8x3xf32>
      %mul3A_332 = arith.constant 1.500000e+00 : f32
      %mul3A_333 = vector.broadcast %mul3A_332 : f32 to vector<8x3xf32>
      %mul3A_334 = arith.mulf %mul3A_333, %cos3A : vector<8x3xf32>
      %mul3A_335 = arith.mulf %mul3A_334, %rsqrt3A : vector<8x3xf32>
      %mul3A_336 = arith.constant 1.500000e+00 : f32
      %mul3A_337 = vector.broadcast %mul3A_336 : f32 to vector<8x3xf32>
      %mul3A_338 = arith.mulf %mul3A_337, %sin3A : vector<8x3xf32>
      %mul3A_339 = arith.mulf %mul3A_338, %rsqrt3A : vector<8x3xf32>
      %mul3A_340 = arith.constant 1.500000e-01 : f32
      %mul3A_341 = vector.broadcast %mul3A_340 : f32 to vector<8x3xf32>
      %mul3A_342 = arith.mulf %mul3A_341, %rsqrt3A : vector<8x3xf32>
      %slice3A_343 = vector.extract_strided_slice %select_n3A_121 {offsets = [0, 0], sizes = [8, 1], strides = [1, 1]} : vector<8x3xf32> to vector<8x1xf32>
      %slice3A_344 = vector.extract_strided_slice %mul3A_335 {offsets = [0, 0], sizes = [8, 1], strides = [1, 1]} : vector<8x3xf32> to vector<8x1xf32>
      %add3A_345 = arith.addf %slice3A_343, %slice3A_344 : vector<8x1xf32>
      %slice3A_346 = vector.extract_strided_slice %select_n3A_121 {offsets = [0, 1], sizes = [8, 1], strides = [1, 1]} : vector<8x3xf32> to vector<8x1xf32>
      %slice3A_347 = vector.extract_strided_slice %mul3A_339 {offsets = [0, 0], sizes = [8, 1], strides = [1, 1]} : vector<8x3xf32> to vector<8x1xf32>
      %add3A_348 = arith.addf %slice3A_346, %slice3A_347 : vector<8x1xf32>
      %slice3A_349 = vector.extract_strided_slice %select_n3A_121 {offsets = [0, 2], sizes = [8, 1], strides = [1, 1]} : vector<8x3xf32> to vector<8x1xf32>
      %slice3A_350 = vector.extract_strided_slice %mul3A_342 {offsets = [0, 0], sizes = [8, 1], strides = [1, 1]} : vector<8x3xf32> to vector<8x1xf32>
      %add3A_351 = arith.addf %slice3A_349, %slice3A_350 : vector<8x1xf32>
      %slice3A_352 = vector.extract_strided_slice %mul3A_335 {offsets = [0, 1], sizes = [8, 1], strides = [1, 1]} : vector<8x3xf32> to vector<8x1xf32>
      %add3A_353 = arith.addf %add3A_345, %slice3A_352 : vector<8x1xf32>
      %slice3A_354 = vector.extract_strided_slice %mul3A_339 {offsets = [0, 1], sizes = [8, 1], strides = [1, 1]} : vector<8x3xf32> to vector<8x1xf32>
      %add3A_355 = arith.addf %add3A_348, %slice3A_354 : vector<8x1xf32>
      %slice3A_356 = vector.extract_strided_slice %mul3A_342 {offsets = [0, 1], sizes = [8, 1], strides = [1, 1]} : vector<8x3xf32> to vector<8x1xf32>
      %add3A_357 = arith.addf %add3A_351, %slice3A_356 : vector<8x1xf32>
      %slice3A_358 = vector.extract_strided_slice %mul3A_335 {offsets = [0, 2], sizes = [8, 1], strides = [1, 1]} : vector<8x3xf32> to vector<8x1xf32>
      %add3A_359 = arith.addf %add3A_353, %slice3A_358 : vector<8x1xf32>
      %slice3A_360 = vector.extract_strided_slice %mul3A_339 {offsets = [0, 2], sizes = [8, 1], strides = [1, 1]} : vector<8x3xf32> to vector<8x1xf32>
      %add3A_361 = arith.addf %add3A_355, %slice3A_360 : vector<8x1xf32>
      %slice3A_362 = vector.extract_strided_slice %mul3A_342 {offsets = [0, 2], sizes = [8, 1], strides = [1, 1]} : vector<8x3xf32> to vector<8x1xf32>
      %add3A_363 = arith.addf %add3A_357, %slice3A_362 : vector<8x1xf32>
      %concatenate3A_364 = tpu.concatenate %add3A_345, %add3A_348, %add3A_351, %add3A_353, %add3A_355, %add3A_357, %add3A_359, %add3A_361, %add3A_363 in 1 : vector<8x1xf32>, vector<8x1xf32>, vector<8x1xf32>, vector<8x1xf32>, vector<8x1xf32>, vector<8x1xf32>, vector<8x1xf32>, vector<8x1xf32>, vector<8x1xf32> -> vector<8x9xf32>
      %swap3A_365 = arith.index_cast %while3A_106 : i32 to index
      %swap3A_366 = arith.constant 0 : index
      %swap3A_367 = arith.constant 0 : index
      %swap3A_368 = vector.load %arg20[%swap3A_365, %swap3A_366, %swap3A_367] : memref<256x8x9xf32, #tpu.memory_space<vmem>>, vector<1x8x9xf32>
      %swap3A_369 = vector.shape_cast %swap3A_368 : vector<1x8x9xf32> to vector<8x9xf32>
      %swap3A_370 = vector.shape_cast %concatenate3A_364 : vector<8x9xf32> to vector<1x8x9xf32>
      tpu.vector_store %arg20[%swap3A_365, %swap3A_366, %swap3A_367], %swap3A_370 {strides = array<i32>} : memref<256x8x9xf32, #tpu.memory_space<vmem>>, vector<1x8x9xf32>,
      %get3A_371 = arith.constant 9 : index
      %get3A_372 = memref.load %arg0[%get3A_371] : memref<17xi32, #tpu.memory_space<smem>>
      %lt3A_373 = arith.cmpi slt, %while3A_106, %get3A_372 : i32
      %convert_element_type3A_374 = arith.extui %lt3A_373 : i1 to i32
      %cond3A = arith.constant 0 : i32
      %cond3A_375 = arith.cmpi ne, %convert_element_type3A_374, %cond3A : i32
      scf.if %cond3A_375 {
        %get3A_445 = arith.constant 1 : index
        %get3A_446 = memref.load %arg0[%get3A_445] : memref<17xi32, #tpu.memory_space<smem>>
        %add3A_447 = arith.addi %get3A_446, %while3A_106 : i32
        %slice3A_448 = vector.extract_strided_slice %concatenate3A_364 {offsets = [0, 0], sizes = [1, 9], strides = [1, 1]} : vector<8x9xf32> to vector<1x9xf32>
        %swap3A_449 = arith.index_cast %add3A_447 : i32 to index
        %swap3A_450 = arith.constant 0 : index
        %swap3A_451 = vector.load %arg18[%swap3A_449, %swap3A_450] : memref<256x9xf32, #tpu.memory_space<vmem>>, vector<1x9xf32>
        tpu.vector_store %arg18[%swap3A_449, %swap3A_450], %slice3A_448 {strides = array<i32>} : memref<256x9xf32, #tpu.memory_space<vmem>>, vector<1x9xf32>,
        %slice3A_452 = vector.extract_strided_slice %mul3A_325 {offsets = [0, 0], sizes = [1, 3], strides = [1, 1]} : vector<8x3xf32> to vector<1x3xf32>
        %swap3A_453 = arith.index_cast %add3A_447 : i32 to index
        %swap3A_454 = arith.constant 0 : index
        %swap3A_455 = vector.load %arg19[%swap3A_453, %swap3A_454] : memref<256x3xf32, #tpu.memory_space<vmem>>, vector<1x3xf32>
        tpu.vector_store %arg19[%swap3A_453, %swap3A_454], %slice3A_452 {strides = array<i32>} : memref<256x3xf32, #tpu.memory_space<vmem>>, vector<1x3xf32>,
      } else {
      }
      %get3A_376 = arith.constant 10 : index
      %get3A_377 = memref.load %arg0[%get3A_376] : memref<17xi32, #tpu.memory_space<smem>>
      %lt3A_378 = arith.cmpi slt, %while3A_106, %get3A_377 : i32
      %convert_element_type3A_379 = arith.extui %lt3A_378 : i1 to i32
      %cond3A_380 = arith.constant 0 : i32
      %cond3A_381 = arith.cmpi ne, %convert_element_type3A_379, %cond3A_380 : i32
      scf.if %cond3A_381 {
        %get3A_445 = arith.constant 2 : index
        %get3A_446 = memref.load %arg0[%get3A_445] : memref<17xi32, #tpu.memory_space<smem>>
        %add3A_447 = arith.addi %get3A_446, %while3A_106 : i32
        %slice3A_448 = vector.extract_strided_slice %concatenate3A_364 {offsets = [1, 0], sizes = [1, 9], strides = [1, 1]} : vector<8x9xf32> to vector<1x9xf32>
        %swap3A_449 = arith.index_cast %add3A_447 : i32 to index
        %swap3A_450 = arith.constant 0 : index
        %swap3A_451 = vector.load %arg18[%swap3A_449, %swap3A_450] : memref<256x9xf32, #tpu.memory_space<vmem>>, vector<1x9xf32>
        tpu.vector_store %arg18[%swap3A_449, %swap3A_450], %slice3A_448 {strides = array<i32>} : memref<256x9xf32, #tpu.memory_space<vmem>>, vector<1x9xf32>,
        %slice3A_452 = vector.extract_strided_slice %mul3A_325 {offsets = [1, 0], sizes = [1, 3], strides = [1, 1]} : vector<8x3xf32> to vector<1x3xf32>
        %swap3A_453 = arith.index_cast %add3A_447 : i32 to index
        %swap3A_454 = arith.constant 0 : index
        %swap3A_455 = vector.load %arg19[%swap3A_453, %swap3A_454] : memref<256x3xf32, #tpu.memory_space<vmem>>, vector<1x3xf32>
        tpu.vector_store %arg19[%swap3A_453, %swap3A_454], %slice3A_452 {strides = array<i32>} : memref<256x3xf32, #tpu.memory_space<vmem>>, vector<1x3xf32>,
      } else {
      }
      %get3A_382 = arith.constant 11 : index
      %get3A_383 = memref.load %arg0[%get3A_382] : memref<17xi32, #tpu.memory_space<smem>>
      %lt3A_384 = arith.cmpi slt, %while3A_106, %get3A_383 : i32
      %convert_element_type3A_385 = arith.extui %lt3A_384 : i1 to i32
      %cond3A_386 = arith.constant 0 : i32
      %cond3A_387 = arith.cmpi ne, %convert_element_type3A_385, %cond3A_386 : i32
      scf.if %cond3A_387 {
        %get3A_445 = arith.constant 3 : index
        %get3A_446 = memref.load %arg0[%get3A_445] : memref<17xi32, #tpu.memory_space<smem>>
        %add3A_447 = arith.addi %get3A_446, %while3A_106 : i32
        %slice3A_448 = vector.extract_strided_slice %concatenate3A_364 {offsets = [2, 0], sizes = [1, 9], strides = [1, 1]} : vector<8x9xf32> to vector<1x9xf32>
        %swap3A_449 = arith.index_cast %add3A_447 : i32 to index
        %swap3A_450 = arith.constant 0 : index
        %swap3A_451 = vector.load %arg18[%swap3A_449, %swap3A_450] : memref<256x9xf32, #tpu.memory_space<vmem>>, vector<1x9xf32>
        tpu.vector_store %arg18[%swap3A_449, %swap3A_450], %slice3A_448 {strides = array<i32>} : memref<256x9xf32, #tpu.memory_space<vmem>>, vector<1x9xf32>,
        %slice3A_452 = vector.extract_strided_slice %mul3A_325 {offsets = [2, 0], sizes = [1, 3], strides = [1, 1]} : vector<8x3xf32> to vector<1x3xf32>
        %swap3A_453 = arith.index_cast %add3A_447 : i32 to index
        %swap3A_454 = arith.constant 0 : index
        %swap3A_455 = vector.load %arg19[%swap3A_453, %swap3A_454] : memref<256x3xf32, #tpu.memory_space<vmem>>, vector<1x3xf32>
        tpu.vector_store %arg19[%swap3A_453, %swap3A_454], %slice3A_452 {strides = array<i32>} : memref<256x3xf32, #tpu.memory_space<vmem>>, vector<1x3xf32>,
      } else {
      }
      %get3A_388 = arith.constant 12 : index
      %get3A_389 = memref.load %arg0[%get3A_388] : memref<17xi32, #tpu.memory_space<smem>>
      %lt3A_390 = arith.cmpi slt, %while3A_106, %get3A_389 : i32
      %convert_element_type3A_391 = arith.extui %lt3A_390 : i1 to i32
      %cond3A_392 = arith.constant 0 : i32
      %cond3A_393 = arith.cmpi ne, %convert_element_type3A_391, %cond3A_392 : i32
      scf.if %cond3A_393 {
        %get3A_445 = arith.constant 4 : index
        %get3A_446 = memref.load %arg0[%get3A_445] : memref<17xi32, #tpu.memory_space<smem>>
        %add3A_447 = arith.addi %get3A_446, %while3A_106 : i32
        %slice3A_448 = vector.extract_strided_slice %concatenate3A_364 {offsets = [3, 0], sizes = [1, 9], strides = [1, 1]} : vector<8x9xf32> to vector<1x9xf32>
        %swap3A_449 = arith.index_cast %add3A_447 : i32 to index
        %swap3A_450 = arith.constant 0 : index
        %swap3A_451 = vector.load %arg18[%swap3A_449, %swap3A_450] : memref<256x9xf32, #tpu.memory_space<vmem>>, vector<1x9xf32>
        tpu.vector_store %arg18[%swap3A_449, %swap3A_450], %slice3A_448 {strides = array<i32>} : memref<256x9xf32, #tpu.memory_space<vmem>>, vector<1x9xf32>,
        %slice3A_452 = vector.extract_strided_slice %mul3A_325 {offsets = [3, 0], sizes = [1, 3], strides = [1, 1]} : vector<8x3xf32> to vector<1x3xf32>
        %swap3A_453 = arith.index_cast %add3A_447 : i32 to index
        %swap3A_454 = arith.constant 0 : index
        %swap3A_455 = vector.load %arg19[%swap3A_453, %swap3A_454] : memref<256x3xf32, #tpu.memory_space<vmem>>, vector<1x3xf32>
        tpu.vector_store %arg19[%swap3A_453, %swap3A_454], %slice3A_452 {strides = array<i32>} : memref<256x3xf32, #tpu.memory_space<vmem>>, vector<1x3xf32>,
      } else {
      }
      %get3A_394 = arith.constant 13 : index
      %get3A_395 = memref.load %arg0[%get3A_394] : memref<17xi32, #tpu.memory_space<smem>>
      %lt3A_396 = arith.cmpi slt, %while3A_106, %get3A_395 : i32
      %convert_element_type3A_397 = arith.extui %lt3A_396 : i1 to i32
      %cond3A_398 = arith.constant 0 : i32
      %cond3A_399 = arith.cmpi ne, %convert_element_type3A_397, %cond3A_398 : i32
      scf.if %cond3A_399 {
        %get3A_445 = arith.constant 5 : index
        %get3A_446 = memref.load %arg0[%get3A_445] : memref<17xi32, #tpu.memory_space<smem>>
        %add3A_447 = arith.addi %get3A_446, %while3A_106 : i32
        %slice3A_448 = vector.extract_strided_slice %concatenate3A_364 {offsets = [4, 0], sizes = [1, 9], strides = [1, 1]} : vector<8x9xf32> to vector<1x9xf32>
        %swap3A_449 = arith.index_cast %add3A_447 : i32 to index
        %swap3A_450 = arith.constant 0 : index
        %swap3A_451 = vector.load %arg18[%swap3A_449, %swap3A_450] : memref<256x9xf32, #tpu.memory_space<vmem>>, vector<1x9xf32>
        tpu.vector_store %arg18[%swap3A_449, %swap3A_450], %slice3A_448 {strides = array<i32>} : memref<256x9xf32, #tpu.memory_space<vmem>>, vector<1x9xf32>,
        %slice3A_452 = vector.extract_strided_slice %mul3A_325 {offsets = [4, 0], sizes = [1, 3], strides = [1, 1]} : vector<8x3xf32> to vector<1x3xf32>
        %swap3A_453 = arith.index_cast %add3A_447 : i32 to index
        %swap3A_454 = arith.constant 0 : index
        %swap3A_455 = vector.load %arg19[%swap3A_453, %swap3A_454] : memref<256x3xf32, #tpu.memory_space<vmem>>, vector<1x3xf32>
        tpu.vector_store %arg19[%swap3A_453, %swap3A_454], %slice3A_452 {strides = array<i32>} : memref<256x3xf32, #tpu.memory_space<vmem>>, vector<1x3xf32>,
      } else {
      }
      %get3A_400 = arith.constant 14 : index
      %get3A_401 = memref.load %arg0[%get3A_400] : memref<17xi32, #tpu.memory_space<smem>>
      %lt3A_402 = arith.cmpi slt, %while3A_106, %get3A_401 : i32
      %convert_element_type3A_403 = arith.extui %lt3A_402 : i1 to i32
      %cond3A_404 = arith.constant 0 : i32
      %cond3A_405 = arith.cmpi ne, %convert_element_type3A_403, %cond3A_404 : i32
      scf.if %cond3A_405 {
        %get3A_445 = arith.constant 6 : index
        %get3A_446 = memref.load %arg0[%get3A_445] : memref<17xi32, #tpu.memory_space<smem>>
        %add3A_447 = arith.addi %get3A_446, %while3A_106 : i32
        %slice3A_448 = vector.extract_strided_slice %concatenate3A_364 {offsets = [5, 0], sizes = [1, 9], strides = [1, 1]} : vector<8x9xf32> to vector<1x9xf32>
        %swap3A_449 = arith.index_cast %add3A_447 : i32 to index
        %swap3A_450 = arith.constant 0 : index
        %swap3A_451 = vector.load %arg18[%swap3A_449, %swap3A_450] : memref<256x9xf32, #tpu.memory_space<vmem>>, vector<1x9xf32>
        tpu.vector_store %arg18[%swap3A_449, %swap3A_450], %slice3A_448 {strides = array<i32>} : memref<256x9xf32, #tpu.memory_space<vmem>>, vector<1x9xf32>,
        %slice3A_452 = vector.extract_strided_slice %mul3A_325 {offsets = [5, 0], sizes = [1, 3], strides = [1, 1]} : vector<8x3xf32> to vector<1x3xf32>
        %swap3A_453 = arith.index_cast %add3A_447 : i32 to index
        %swap3A_454 = arith.constant 0 : index
        %swap3A_455 = vector.load %arg19[%swap3A_453, %swap3A_454] : memref<256x3xf32, #tpu.memory_space<vmem>>, vector<1x3xf32>
        tpu.vector_store %arg19[%swap3A_453, %swap3A_454], %slice3A_452 {strides = array<i32>} : memref<256x3xf32, #tpu.memory_space<vmem>>, vector<1x3xf32>,
      } else {
      }
      %get3A_406 = arith.constant 15 : index
      %get3A_407 = memref.load %arg0[%get3A_406] : memref<17xi32, #tpu.memory_space<smem>>
      %lt3A_408 = arith.cmpi slt, %while3A_106, %get3A_407 : i32
      %convert_element_type3A_409 = arith.extui %lt3A_408 : i1 to i32
      %cond3A_410 = arith.constant 0 : i32
      %cond3A_411 = arith.cmpi ne, %convert_element_type3A_409, %cond3A_410 : i32
      scf.if %cond3A_411 {
        %get3A_445 = arith.constant 7 : index
        %get3A_446 = memref.load %arg0[%get3A_445] : memref<17xi32, #tpu.memory_space<smem>>
        %add3A_447 = arith.addi %get3A_446, %while3A_106 : i32
        %slice3A_448 = vector.extract_strided_slice %concatenate3A_364 {offsets = [6, 0], sizes = [1, 9], strides = [1, 1]} : vector<8x9xf32> to vector<1x9xf32>
        %swap3A_449 = arith.index_cast %add3A_447 : i32 to index
        %swap3A_450 = arith.constant 0 : index
        %swap3A_451 = vector.load %arg18[%swap3A_449, %swap3A_450] : memref<256x9xf32, #tpu.memory_space<vmem>>, vector<1x9xf32>
        tpu.vector_store %arg18[%swap3A_449, %swap3A_450], %slice3A_448 {strides = array<i32>} : memref<256x9xf32, #tpu.memory_space<vmem>>, vector<1x9xf32>,
        %slice3A_452 = vector.extract_strided_slice %mul3A_325 {offsets = [6, 0], sizes = [1, 3], strides = [1, 1]} : vector<8x3xf32> to vector<1x3xf32>
        %swap3A_453 = arith.index_cast %add3A_447 : i32 to index
        %swap3A_454 = arith.constant 0 : index
        %swap3A_455 = vector.load %arg19[%swap3A_453, %swap3A_454] : memref<256x3xf32, #tpu.memory_space<vmem>>, vector<1x3xf32>
        tpu.vector_store %arg19[%swap3A_453, %swap3A_454], %slice3A_452 {strides = array<i32>} : memref<256x3xf32, #tpu.memory_space<vmem>>, vector<1x3xf32>,
      } else {
      }
      %get3A_412 = arith.constant 16 : index
      %get3A_413 = memref.load %arg0[%get3A_412] : memref<17xi32, #tpu.memory_space<smem>>
      %lt3A_414 = arith.cmpi slt, %while3A_106, %get3A_413 : i32
      %convert_element_type3A_415 = arith.extui %lt3A_414 : i1 to i32
      %cond3A_416 = arith.constant 0 : i32
      %cond3A_417 = arith.cmpi ne, %convert_element_type3A_415, %cond3A_416 : i32
      scf.if %cond3A_417 {
        %get3A_445 = arith.constant 8 : index
        %get3A_446 = memref.load %arg0[%get3A_445] : memref<17xi32, #tpu.memory_space<smem>>
        %add3A_447 = arith.addi %get3A_446, %while3A_106 : i32
        %slice3A_448 = vector.extract_strided_slice %concatenate3A_364 {offsets = [7, 0], sizes = [1, 9], strides = [1, 1]} : vector<8x9xf32> to vector<1x9xf32>
        %swap3A_449 = arith.index_cast %add3A_447 : i32 to index
        %swap3A_450 = arith.constant 0 : index
        %swap3A_451 = vector.load %arg18[%swap3A_449, %swap3A_450] : memref<256x9xf32, #tpu.memory_space<vmem>>, vector<1x9xf32>
        tpu.vector_store %arg18[%swap3A_449, %swap3A_450], %slice3A_448 {strides = array<i32>} : memref<256x9xf32, #tpu.memory_space<vmem>>, vector<1x9xf32>,
        %slice3A_452 = vector.extract_strided_slice %mul3A_325 {offsets = [7, 0], sizes = [1, 3], strides = [1, 1]} : vector<8x3xf32> to vector<1x3xf32>
        %swap3A_453 = arith.index_cast %add3A_447 : i32 to index
        %swap3A_454 = arith.constant 0 : index
        %swap3A_455 = vector.load %arg19[%swap3A_453, %swap3A_454] : memref<256x3xf32, #tpu.memory_space<vmem>>, vector<1x3xf32>
        tpu.vector_store %arg19[%swap3A_453, %swap3A_454], %slice3A_452 {strides = array<i32>} : memref<256x3xf32, #tpu.memory_space<vmem>>, vector<1x3xf32>,
      } else {
      }
      %broadcast_in_dim3A_418 = arith.constant 0.000000e+00 : f32
      %broadcast_in_dim3A_419 = vector.broadcast %broadcast_in_dim3A_418 : f32 to vector<8x3xf32>
      %concatenate3A_420 = tpu.concatenate %add3A_314, %select_n3A_245, %mul3A_325, %broadcast_in_dim3A_419 in 1 : vector<8x800xf32>, vector<8x128xf32>, vector<8x3xf32>, vector<8x3xf32> -> vector<8x934xf32>
      %get3A_421 = arith.constant 0 : index
      %get3A_422 = arith.constant 0 : index
      %get3A_423 = vector.load %arg17[%get3A_421, %get3A_422] : memref<934x800xf32, #tpu.memory_space<vmem>>, vector<934x800xf32>
      %dot_general3A_424 = arith.constant dense<0.000000e+00> : vector<8x800xf32>
      %dot_general3A_425 = tpu.matmul %concatenate3A_420, %get3A_423, %dot_general3A_424 {dimension_numbers = #tpu.dot_dimension_numbers<[1], [0], [0], [1], [0, 0, 1, 1], [], []>, transpose_lhs_hint = false} : vector<8x934xf32>, vector<934x800xf32>, vector<8x800xf32> -> vector<8x800xf32>
      %swap3A_426 = arith.index_cast %while3A_106 : i32 to index
      %swap3A_427 = arith.constant 0 : index
      %swap3A_428 = arith.constant 0 : index
      %swap3A_429 = vector.load %arg21[%swap3A_426, %swap3A_427, %swap3A_428] : memref<256x8x800xf32, #tpu.memory_space<vmem>>, vector<1x8x800xf32>
      %swap3A_430 = vector.shape_cast %swap3A_429 : vector<1x8x800xf32> to vector<8x800xf32>
      %swap3A_431 = vector.shape_cast %dot_general3A_425 : vector<8x800xf32> to vector<1x8x800xf32>
      tpu.vector_store %arg21[%swap3A_426, %swap3A_427, %swap3A_428], %swap3A_431 {strides = array<i32>} : memref<256x8x800xf32, #tpu.memory_space<vmem>>, vector<1x8x800xf32>,
      %get3A_432 = arith.constant 0 : index
      %get3A_433 = arith.constant 0 : index
      %get3A_434 = vector.load %arg13[%get3A_432, %get3A_433] : memref<934x128xf32, #tpu.memory_space<vmem>>, vector<934x128xf32>
      %dot_general3A_435 = arith.constant dense<0.000000e+00> : vector<8x128xf32>
      %dot_general3A_436 = tpu.matmul %concatenate3A_420, %get3A_434, %dot_general3A_435 {dimension_numbers = #tpu.dot_dimension_numbers<[1], [0], [0], [1], [0, 0, 1, 1], [], []>, transpose_lhs_hint = false} : vector<8x934xf32>, vector<934x128xf32>, vector<8x128xf32> -> vector<8x128xf32>
      %add3A_437 = vector.broadcast %get3A_80 : vector<1x128xf32> to vector<8x128xf32>
      %add3A_438 = arith.addf %dot_general3A_436, %add3A_437 : vector<8x128xf32>
      %swap3A_439 = arith.index_cast %while3A_106 : i32 to index
      %swap3A_440 = arith.constant 0 : index
      %swap3A_441 = arith.constant 0 : index
      %swap3A_442 = vector.load %arg22[%swap3A_439, %swap3A_440, %swap3A_441] : memref<256x8x128xf32, #tpu.memory_space<vmem>>, vector<1x8x128xf32>
      %swap3A_443 = vector.shape_cast %swap3A_442 : vector<1x8x128xf32> to vector<8x128xf32>
      %swap3A_444 = vector.shape_cast %add3A_438 : vector<8x128xf32> to vector<1x8x128xf32>
      tpu.vector_store %arg22[%swap3A_439, %swap3A_440, %swap3A_441], %swap3A_444 {strides = array<i32>} : memref<256x8x128xf32, #tpu.memory_space<vmem>>, vector<1x8x128xf32>,
      scf.yield %add3A_314, %select_n3A_172 : vector<8x800xf32>, vector<8x800xf32>
    }
    %while3A_104 = arith.constant 1 : i32
    %while3A_105:2 = scf.for %while3A_106 = %while3A_101 to %while3A_97 step %while3A_104 iter_args(%while3A_107 = %while3A_103#0, %while3A_108 = %while3A_103#1) -> (vector<8x800xf32>, vector<8x800xf32>)  : i32 {
      %sub3A_109 = arith.constant 1 : i32
      %sub3A_110 = arith.subi %while3A_106, %sub3A_109 : i32
      %max3A = arith.constant 0 : i32
      %max3A_111 = arith.maxsi %sub3A_110, %max3A : i32
      %get3A_112 = arith.index_cast %max3A_111 : i32 to index
      %get3A_113 = arith.constant 0 : index
      %get3A_114 = arith.constant 0 : index
      %get3A_115 = vector.load %arg20[%get3A_112, %get3A_113, %get3A_114] : memref<256x8x9xf32, #tpu.memory_space<vmem>>, vector<1x8x9xf32>
      %get3A_116 = vector.shape_cast %get3A_115 : vector<1x8x9xf32> to vector<8x9xf32>
      %eq3A_117 = arith.constant 0 : i32
      %eq3A_118 = arith.cmpi eq, %while3A_106, %eq3A_117 : i32
      %broadcast_in_dim3A_119 = arith.constant 0.000000e+00 : f32
      %broadcast_in_dim3A_120 = vector.broadcast %broadcast_in_dim3A_119 : f32 to vector<8x3xf32>
      %slice3A = vector.extract_strided_slice %get3A_116 {offsets = [0, 6], sizes = [8, 3], strides = [1, 1]} : vector<8x9xf32> to vector<8x3xf32>
      %select_n3A_121 = arith.select %eq3A_118, %broadcast_in_dim3A_120, %slice3A : vector<8x3xf32>
      %add3A_122 = arith.constant 64 : i32
      %add3A_123 = arith.addi %while3A_106, %add3A_122 : i32
      %sub3A_124 = arith.constant 1 : i32
      %sub3A_125 = arith.subi %add3A_123, %sub3A_124 : i32
      %jit3A_126 = arith.constant 64 : i32
      %div3A_127 = arith.divsi %sub3A_125, %jit3A_126 : i32
      %sign3A_128 = arith.constant 0 : i32
      %sign3A_129 = arith.cmpi sgt, %sub3A_125, %sign3A_128 : i32
      %sign3A_130 = arith.extui %sign3A_129 : i1 to i32
      %sign3A_131 = arith.constant 0 : i32
      %sign3A_132 = arith.cmpi slt, %sub3A_125, %sign3A_131 : i32
      %sign3A_133 = arith.extui %sign3A_132 : i1 to i32
      %sign3A_134 = arith.subi %sign3A_130, %sign3A_133 : i32
      %sign3A_135 = arith.constant 0 : i32
      %sign3A_136 = arith.cmpi sgt, %jit3A_126, %sign3A_135 : i32
      %sign3A_137 = arith.extui %sign3A_136 : i1 to i32
      %sign3A_138 = arith.constant 0 : i32
      %sign3A_139 = arith.cmpi slt, %jit3A_126, %sign3A_138 : i32
      %sign3A_140 = arith.extui %sign3A_139 : i1 to i32
      %sign3A_141 = arith.subi %sign3A_137, %sign3A_140 : i32
      %ne3A_142 = arith.cmpi ne, %sign3A_134, %sign3A_141 : i32
      %rem3A_143 = arith.remsi %sub3A_125, %jit3A_126 : i32
      %ne3A_144 = arith.constant 0 : i32
      %ne3A_145 = arith.cmpi ne, %rem3A_143, %ne3A_144 : i32
      %and3A_146 = arith.andi %ne3A_142, %ne3A_145 : i1
      %sub3A_147 = arith.constant 1 : i32
      %sub3A_148 = arith.subi %div3A_127, %sub3A_147 : i32
      %select_n3A_149 = arith.select %and3A_146, %sub3A_148, %div3A_127 : i32
      %broadcast_in_dim3A_150 = arith.constant 0.000000e+00 : f32
      %broadcast_in_dim3A_151 = vector.broadcast %broadcast_in_dim3A_150 : f32 to vector<8x800xf32>
      %broadcast_in_dim3A_152 = arith.constant 0.000000e+00 : f32
      %broadcast_in_dim3A_153 = vector.broadcast %broadcast_in_dim3A_152 : f32 to vector<8x8xf32>
      %while3A_154 = arith.constant 0 : i32
      %while3A_155 = arith.subi %select_n3A_149, %while3A_154 : i32
      %while3A_156 = arith.addi %while3A_154, %while3A_155 : i32
      %while3A_157 = arith.constant 1 : i32
      %while3A_158 = arith.divsi %while3A_155, %while3A_157 : i32
      %while3A_159 = arith.muli %while3A_158, %while3A_157 : i32
      %while3A_160 = arith.addi %while3A_154, %while3A_159 : i32
      %while3A_161 = arith.constant 1 : i32
      %while3A_162:2 = scf.for %while3A_445 = %while3A_154 to %while3A_160 step %while3A_161 iter_args(%while3A_446 = %broadcast_in_dim3A_151, %while3A_447 = %broadcast_in_dim3A_153) -> (vector<8x800xf32>, vector<8x8xf32>)  : i32 {
        %mul3A_448 = arith.constant 64 : i32
        %mul3A_449 = arith.muli %while3A_445, %mul3A_448 : i32
        %get3A_450 = arith.index_cast %mul3A_449 : i32 to index
        %get3A_451 = arith.constant 0 : index
        %get3A_452 = arith.constant 0 : index
        %get3A_453 = vector.load %arg20[%get3A_450, %get3A_451, %get3A_452] : memref<256x8x9xf32, #tpu.memory_space<vmem>>, vector<64x8x9xf32>
        %broadcast_in_dim3A_454 = vector.shape_cast %get3A_116 : vector<8x9xf32> to vector<1x8x9xf32>
        %sub3A_455 = vector.broadcast %broadcast_in_dim3A_454 : vector<1x8x9xf32> to vector<64x8x9xf32>
        %sub3A_456 = arith.subf %get3A_453, %sub3A_455 : vector<64x8x9xf32>
        %mul3A_457 = arith.mulf %sub3A_456, %sub3A_456 : vector<64x8x9xf32>
        %slice3A_458 = vector.extract_strided_slice %mul3A_457 {offsets = [0, 0, 0], sizes = [64, 8, 3], strides = [1, 1, 1]} : vector<64x8x9xf32> to vector<64x8x3xf32>
        %slice3A_459 = vector.extract_strided_slice %mul3A_457 {offsets = [0, 0, 3], sizes = [64, 8, 3], strides = [1, 1, 1]} : vector<64x8x9xf32> to vector<64x8x3xf32>
        %add3A_460 = arith.addf %slice3A_458, %slice3A_459 : vector<64x8x3xf32>
        %slice3A_461 = vector.extract_strided_slice %mul3A_457 {offsets = [0, 0, 6], sizes = [64, 8, 3], strides = [1, 1, 1]} : vector<64x8x9xf32> to vector<64x8x3xf32>
        %add3A_462 = arith.addf %add3A_460, %slice3A_461 : vector<64x8x3xf32>
        %sqrt3A = math.sqrt %add3A_462 : vector<64x8x3xf32>
        %reshape3A = vector.shape_cast %sqrt3A : vector<64x8x3xf32> to vector<512x3xf32>
        %slice3A_463 = vector.extract_strided_slice %mul3A_457 {offsets = [0, 0, 3], sizes = [64, 8, 3], strides = [1, 1, 1]} : vector<64x8x9xf32> to vector<64x8x3xf32>
        %reduce_sum3A = arith.constant dense<0.000000e+00> : vector<64x8xf32>
        %reduce_sum3A_464 = vector.multi_reduction <add>, %slice3A_463, %reduce_sum3A [2] : vector<64x8x3xf32> to vector<64x8xf32>
        %broadcast_in_dim3A_465 = vector.shape_cast %reduce_sum3A_464 : vector<64x8xf32> to vector<64x8x1xf32>
        %mul3A_466 = arith.constant 64 : i32
        %mul3A_467 = arith.muli %while3A_445, %mul3A_466 : i32
        %add3A_468 = vector.broadcast %mul3A_467 : i32 to vector<64x8x1xi32>
        %add3A_469 = arith.addi %add3A_468, %iota3A_66 : vector<64x8x1xi32>
        %lt3A_470 = vector.broadcast %while3A_106 : i32 to vector<64x8x1xi32>
        %lt3A_471 = arith.cmpi slt, %add3A_469, %lt3A_470 : vector<64x8x1xi32>
        %le3A = arith.constant 6.400000e+01 : f32
        %le3A_472 = vector.broadcast %le3A : f32 to vector<64x8x1xf32>
        %le3A_473 = arith.cmpf ole, %broadcast_in_dim3A_465, %le3A_472 : vector<64x8x1xf32>
        %and3A_474 = arith.andi %lt3A_471, %le3A_473 : vector<64x8x1xi1>
        %convert_element_type3A_475 = arith.extui %and3A_474 : vector<64x8x1xi1> to vector<64x8x1xi32>
        %convert_element_type3A_476 = arith.sitofp %convert_element_type3A_475 : vector<64x8x1xi32> to vector<64x8x1xf32>
        %reshape3A_477 = vector.shape_cast %convert_element_type3A_476 : vector<64x8x1xf32> to vector<512x1xf32>
        %mul3A_478 = arith.constant 64 : i32
        %mul3A_479 = arith.muli %while3A_445, %mul3A_478 : i32
        %get3A_480 = arith.index_cast %mul3A_479 : i32 to index
        %get3A_481 = arith.constant 0 : index
        %get3A_482 = arith.constant 0 : index
        %get3A_483 = vector.load %arg22[%get3A_480, %get3A_481, %get3A_482] : memref<256x8x128xf32, #tpu.memory_space<vmem>>, vector<64x8x128xf32>
        %reshape3A_484 = vector.shape_cast %get3A_483 : vector<64x8x128xf32> to vector<512x128xf32>
        %dot_general3A_485 = arith.constant dense<0.000000e+00> : vector<512x128xf32>
        %dot_general3A_486 = tpu.matmul %reshape3A, %get3A_86, %dot_general3A_485 {dimension_numbers = #tpu.dot_dimension_numbers<[1], [0], [0], [1], [0, 0, 1, 1], [], []>, transpose_lhs_hint = false} : vector<512x3xf32>, vector<3x128xf32>, vector<512x128xf32> -> vector<512x128xf32>
        %add3A_487 = arith.addf %reshape3A_484, %dot_general3A_486 : vector<512x128xf32>
        %tanh3A_488 = math.tanh %add3A_487 : vector<512x128xf32>
        %dot_general3A_489 = arith.constant dense<0.000000e+00> : vector<512x8xf32>
        %dot_general3A_490 = tpu.matmul %tanh3A_488, %get3A_74, %dot_general3A_489 {dimension_numbers = #tpu.dot_dimension_numbers<[1], [0], [0], [1], [0, 0, 1, 1], [], []>, transpose_lhs_hint = false} : vector<512x128xf32>, vector<128x8xf32>, vector<512x8xf32> -> vector<512x8xf32>
        %sub3A_491 = vector.broadcast %get3A_77 : vector<1x8xf32> to vector<512x8xf32>
        %sub3A_492 = arith.subf %dot_general3A_490, %sub3A_491 : vector<512x8xf32>
        %exp3A = math.exp %sub3A_492 : vector<512x8xf32>
        %mul3A_493 = vector.broadcast %reshape3A_477 : vector<512x1xf32> to vector<512x8xf32>
        %mul3A_494 = arith.mulf %exp3A, %mul3A_493 : vector<512x8xf32>
        %dot_general3A_495 = arith.constant dense<0.000000e+00> : vector<8x8xf32>
        %dot_general3A_496 = tpu.matmul %convert_element_type3A_65, %mul3A_494, %dot_general3A_495 {dimension_numbers = #tpu.dot_dimension_numbers<[1], [0], [0], [1], [0, 0, 1, 1], [], []>, transpose_lhs_hint = false} : vector<8x512xf32>, vector<512x8xf32>, vector<8x8xf32> -> vector<8x8xf32>
        %add3A_497 = arith.addf %while3A_447, %dot_general3A_496 : vector<8x8xf32>
        %dot_general3A_498 = arith.constant dense<0.000000e+00> : vector<512x800xf32>
        %dot_general3A_499 = tpu.matmul %mul3A_494, %convert_element_type3A_40, %dot_general3A_498 {dimension_numbers = #tpu.dot_dimension_numbers<[1], [0], [0], [1], [0, 0, 1, 1], [], []>, transpose_lhs_hint = false} : vector<512x8xf32>, vector<8x800xf32>, vector<512x800xf32> -> vector<512x800xf32>
        %mul3A_500 = arith.constant 64 : i32
        %mul3A_501 = arith.muli %while3A_445, %mul3A_500 : i32
        %get3A_502 = arith.index_cast %mul3A_501 : i32 to index
        %get3A_503 = arith.constant 0 : index
        %get3A_504 = arith.constant 0 : index
        %get3A_505 = vector.load %arg21[%get3A_502, %get3A_503, %get3A_504] : memref<256x8x800xf32, #tpu.memory_space<vmem>>, vector<64x8x800xf32>
        %reshape3A_506 = vector.shape_cast %get3A_505 : vector<64x8x800xf32> to vector<512x800xf32>
        %dot_general3A_507 = arith.constant dense<0.000000e+00> : vector<512x800xf32>
        %dot_general3A_508 = tpu.matmul %reshape3A, %get3A_89, %dot_general3A_507 {dimension_numbers = #tpu.dot_dimension_numbers<[1], [0], [0], [1], [0, 0, 1, 1], [], []>, transpose_lhs_hint = false} : vector<512x3xf32>, vector<3x800xf32>, vector<512x800xf32> -> vector<512x800xf32>
        %add3A_509 = arith.addf %reshape3A_506, %dot_general3A_508 : vector<512x800xf32>
        %mul3A_510 = arith.mulf %dot_general3A_499, %add3A_509 : vector<512x800xf32>
        %dot_general3A_511 = arith.constant dense<0.000000e+00> : vector<8x800xf32>
        %dot_general3A_512 = tpu.matmul %convert_element_type3A_65, %mul3A_510, %dot_general3A_511 {dimension_numbers = #tpu.dot_dimension_numbers<[1], [0], [0], [1], [0, 0, 1, 1], [], []>, transpose_lhs_hint = false} : vector<8x512xf32>, vector<512x800xf32>, vector<8x800xf32> -> vector<8x800xf32>
        %add3A_513 = arith.addf %while3A_446, %dot_general3A_512 : vector<8x800xf32>
        scf.yield %add3A_513, %add3A_497 : vector<8x800xf32>, vector<8x8xf32>
      }
      %while3A_163 = arith.constant 1 : i32
      %while3A_164:2 = scf.for %while3A_445 = %while3A_160 to %while3A_156 step %while3A_163 iter_args(%while3A_446 = %while3A_162#0, %while3A_447 = %while3A_162#1) -> (vector<8x800xf32>, vector<8x8xf32>)  : i32 {
        %mul3A_448 = arith.constant 64 : i32
        %mul3A_449 = arith.muli %while3A_445, %mul3A_448 : i32
        %get3A_450 = arith.index_cast %mul3A_449 : i32 to index
        %get3A_451 = arith.constant 0 : index
        %get3A_452 = arith.constant 0 : index
        %get3A_453 = vector.load %arg20[%get3A_450, %get3A_451, %get3A_452] : memref<256x8x9xf32, #tpu.memory_space<vmem>>, vector<64x8x9xf32>
        %broadcast_in_dim3A_454 = vector.shape_cast %get3A_116 : vector<8x9xf32> to vector<1x8x9xf32>
        %sub3A_455 = vector.broadcast %broadcast_in_dim3A_454 : vector<1x8x9xf32> to vector<64x8x9xf32>
        %sub3A_456 = arith.subf %get3A_453, %sub3A_455 : vector<64x8x9xf32>
        %mul3A_457 = arith.mulf %sub3A_456, %sub3A_456 : vector<64x8x9xf32>
        %slice3A_458 = vector.extract_strided_slice %mul3A_457 {offsets = [0, 0, 0], sizes = [64, 8, 3], strides = [1, 1, 1]} : vector<64x8x9xf32> to vector<64x8x3xf32>
        %slice3A_459 = vector.extract_strided_slice %mul3A_457 {offsets = [0, 0, 3], sizes = [64, 8, 3], strides = [1, 1, 1]} : vector<64x8x9xf32> to vector<64x8x3xf32>
        %add3A_460 = arith.addf %slice3A_458, %slice3A_459 : vector<64x8x3xf32>
        %slice3A_461 = vector.extract_strided_slice %mul3A_457 {offsets = [0, 0, 6], sizes = [64, 8, 3], strides = [1, 1, 1]} : vector<64x8x9xf32> to vector<64x8x3xf32>
        %add3A_462 = arith.addf %add3A_460, %slice3A_461 : vector<64x8x3xf32>
        %sqrt3A = math.sqrt %add3A_462 : vector<64x8x3xf32>
        %reshape3A = vector.shape_cast %sqrt3A : vector<64x8x3xf32> to vector<512x3xf32>
        %slice3A_463 = vector.extract_strided_slice %mul3A_457 {offsets = [0, 0, 3], sizes = [64, 8, 3], strides = [1, 1, 1]} : vector<64x8x9xf32> to vector<64x8x3xf32>
        %reduce_sum3A = arith.constant dense<0.000000e+00> : vector<64x8xf32>
        %reduce_sum3A_464 = vector.multi_reduction <add>, %slice3A_463, %reduce_sum3A [2] : vector<64x8x3xf32> to vector<64x8xf32>
        %broadcast_in_dim3A_465 = vector.shape_cast %reduce_sum3A_464 : vector<64x8xf32> to vector<64x8x1xf32>
        %mul3A_466 = arith.constant 64 : i32
        %mul3A_467 = arith.muli %while3A_445, %mul3A_466 : i32
        %add3A_468 = vector.broadcast %mul3A_467 : i32 to vector<64x8x1xi32>
        %add3A_469 = arith.addi %add3A_468, %iota3A_66 : vector<64x8x1xi32>
        %lt3A_470 = vector.broadcast %while3A_106 : i32 to vector<64x8x1xi32>
        %lt3A_471 = arith.cmpi slt, %add3A_469, %lt3A_470 : vector<64x8x1xi32>
        %le3A = arith.constant 6.400000e+01 : f32
        %le3A_472 = vector.broadcast %le3A : f32 to vector<64x8x1xf32>
        %le3A_473 = arith.cmpf ole, %broadcast_in_dim3A_465, %le3A_472 : vector<64x8x1xf32>
        %and3A_474 = arith.andi %lt3A_471, %le3A_473 : vector<64x8x1xi1>
        %convert_element_type3A_475 = arith.extui %and3A_474 : vector<64x8x1xi1> to vector<64x8x1xi32>
        %convert_element_type3A_476 = arith.sitofp %convert_element_type3A_475 : vector<64x8x1xi32> to vector<64x8x1xf32>
        %reshape3A_477 = vector.shape_cast %convert_element_type3A_476 : vector<64x8x1xf32> to vector<512x1xf32>
        %mul3A_478 = arith.constant 64 : i32
        %mul3A_479 = arith.muli %while3A_445, %mul3A_478 : i32
        %get3A_480 = arith.index_cast %mul3A_479 : i32 to index
        %get3A_481 = arith.constant 0 : index
        %get3A_482 = arith.constant 0 : index
        %get3A_483 = vector.load %arg22[%get3A_480, %get3A_481, %get3A_482] : memref<256x8x128xf32, #tpu.memory_space<vmem>>, vector<64x8x128xf32>
        %reshape3A_484 = vector.shape_cast %get3A_483 : vector<64x8x128xf32> to vector<512x128xf32>
        %dot_general3A_485 = arith.constant dense<0.000000e+00> : vector<512x128xf32>
        %dot_general3A_486 = tpu.matmul %reshape3A, %get3A_86, %dot_general3A_485 {dimension_numbers = #tpu.dot_dimension_numbers<[1], [0], [0], [1], [0, 0, 1, 1], [], []>, transpose_lhs_hint = false} : vector<512x3xf32>, vector<3x128xf32>, vector<512x128xf32> -> vector<512x128xf32>
        %add3A_487 = arith.addf %reshape3A_484, %dot_general3A_486 : vector<512x128xf32>
        %tanh3A_488 = math.tanh %add3A_487 : vector<512x128xf32>
        %dot_general3A_489 = arith.constant dense<0.000000e+00> : vector<512x8xf32>
        %dot_general3A_490 = tpu.matmul %tanh3A_488, %get3A_74, %dot_general3A_489 {dimension_numbers = #tpu.dot_dimension_numbers<[1], [0], [0], [1], [0, 0, 1, 1], [], []>, transpose_lhs_hint = false} : vector<512x128xf32>, vector<128x8xf32>, vector<512x8xf32> -> vector<512x8xf32>
        %sub3A_491 = vector.broadcast %get3A_77 : vector<1x8xf32> to vector<512x8xf32>
        %sub3A_492 = arith.subf %dot_general3A_490, %sub3A_491 : vector<512x8xf32>
        %exp3A = math.exp %sub3A_492 : vector<512x8xf32>
        %mul3A_493 = vector.broadcast %reshape3A_477 : vector<512x1xf32> to vector<512x8xf32>
        %mul3A_494 = arith.mulf %exp3A, %mul3A_493 : vector<512x8xf32>
        %dot_general3A_495 = arith.constant dense<0.000000e+00> : vector<8x8xf32>
        %dot_general3A_496 = tpu.matmul %convert_element_type3A_65, %mul3A_494, %dot_general3A_495 {dimension_numbers = #tpu.dot_dimension_numbers<[1], [0], [0], [1], [0, 0, 1, 1], [], []>, transpose_lhs_hint = false} : vector<8x512xf32>, vector<512x8xf32>, vector<8x8xf32> -> vector<8x8xf32>
        %add3A_497 = arith.addf %while3A_447, %dot_general3A_496 : vector<8x8xf32>
        %dot_general3A_498 = arith.constant dense<0.000000e+00> : vector<512x800xf32>
        %dot_general3A_499 = tpu.matmul %mul3A_494, %convert_element_type3A_40, %dot_general3A_498 {dimension_numbers = #tpu.dot_dimension_numbers<[1], [0], [0], [1], [0, 0, 1, 1], [], []>, transpose_lhs_hint = false} : vector<512x8xf32>, vector<8x800xf32>, vector<512x800xf32> -> vector<512x800xf32>
        %mul3A_500 = arith.constant 64 : i32
        %mul3A_501 = arith.muli %while3A_445, %mul3A_500 : i32
        %get3A_502 = arith.index_cast %mul3A_501 : i32 to index
        %get3A_503 = arith.constant 0 : index
        %get3A_504 = arith.constant 0 : index
        %get3A_505 = vector.load %arg21[%get3A_502, %get3A_503, %get3A_504] : memref<256x8x800xf32, #tpu.memory_space<vmem>>, vector<64x8x800xf32>
        %reshape3A_506 = vector.shape_cast %get3A_505 : vector<64x8x800xf32> to vector<512x800xf32>
        %dot_general3A_507 = arith.constant dense<0.000000e+00> : vector<512x800xf32>
        %dot_general3A_508 = tpu.matmul %reshape3A, %get3A_89, %dot_general3A_507 {dimension_numbers = #tpu.dot_dimension_numbers<[1], [0], [0], [1], [0, 0, 1, 1], [], []>, transpose_lhs_hint = false} : vector<512x3xf32>, vector<3x800xf32>, vector<512x800xf32> -> vector<512x800xf32>
        %add3A_509 = arith.addf %reshape3A_506, %dot_general3A_508 : vector<512x800xf32>
        %mul3A_510 = arith.mulf %dot_general3A_499, %add3A_509 : vector<512x800xf32>
        %dot_general3A_511 = arith.constant dense<0.000000e+00> : vector<8x800xf32>
        %dot_general3A_512 = tpu.matmul %convert_element_type3A_65, %mul3A_510, %dot_general3A_511 {dimension_numbers = #tpu.dot_dimension_numbers<[1], [0], [0], [1], [0, 0, 1, 1], [], []>, transpose_lhs_hint = false} : vector<8x512xf32>, vector<512x800xf32>, vector<8x800xf32> -> vector<8x800xf32>
        %add3A_513 = arith.addf %while3A_446, %dot_general3A_512 : vector<8x800xf32>
        scf.yield %add3A_513, %add3A_497 : vector<8x800xf32>, vector<8x8xf32>
      }
      %dot_general3A = arith.constant dense<0.000000e+00> : vector<8x800xf32>
      %dot_general3A_165 = tpu.matmul %while3A_164#1, %convert_element_type3A_40, %dot_general3A {dimension_numbers = #tpu.dot_dimension_numbers<[1], [0], [0], [1], [0, 0, 1, 1], [], []>, transpose_lhs_hint = false} : vector<8x8xf32>, vector<8x800xf32>, vector<8x800xf32> -> vector<8x800xf32>
      %max3A_166 = arith.constant 1.000000e-30 : f32
      %max3A_167 = vector.broadcast %max3A_166 : f32 to vector<8x800xf32>
      %max3A_168 = arith.maximumf %dot_general3A_165, %max3A_167 : vector<8x800xf32>
      %div3A_169 = arith.divf %while3A_164#0, %max3A_168 : vector<8x800xf32>
      %broadcast_in_dim3A_170 = arith.constant 0.000000e+00 : f32
      %broadcast_in_dim3A_171 = vector.broadcast %broadcast_in_dim3A_170 : f32 to vector<8x800xf32>
      %select_n3A_172 = arith.select %eq3A_118, %broadcast_in_dim3A_171, %div3A_169 : vector<8x800xf32>
      %get3A_173 = arith.constant 1 : index
      %get3A_174 = memref.load %arg0[%get3A_173] : memref<17xi32, #tpu.memory_space<smem>>
      %add3A_175 = arith.addi %get3A_174, %while3A_106 : i32
      %min3A = arith.constant 255 : i32
      %min3A_176 = arith.minsi %add3A_175, %min3A : i32
      %get3A_177 = arith.index_cast %min3A_176 : i32 to index
      %get3A_178 = arith.constant 0 : index
      %get3A_179 = vector.load %arg1[%get3A_177, %get3A_178] : memref<256x128xf32, #tpu.memory_space<vmem>>, vector<1x128xf32>
      %get3A_180 = arith.constant 2 : index
      %get3A_181 = memref.load %arg0[%get3A_180] : memref<17xi32, #tpu.memory_space<smem>>
      %add3A_182 = arith.addi %get3A_181, %while3A_106 : i32
      %min3A_183 = arith.constant 255 : i32
      %min3A_184 = arith.minsi %add3A_182, %min3A_183 : i32
      %get3A_185 = arith.index_cast %min3A_184 : i32 to index
      %get3A_186 = arith.constant 0 : index
      %get3A_187 = vector.load %arg1[%get3A_185, %get3A_186] : memref<256x128xf32, #tpu.memory_space<vmem>>, vector<1x128xf32>
      %get3A_188 = arith.constant 3 : index
      %get3A_189 = memref.load %arg0[%get3A_188] : memref<17xi32, #tpu.memory_space<smem>>
      %add3A_190 = arith.addi %get3A_189, %while3A_106 : i32
      %min3A_191 = arith.constant 255 : i32
      %min3A_192 = arith.minsi %add3A_190, %min3A_191 : i32
      %get3A_193 = arith.index_cast %min3A_192 : i32 to index
      %get3A_194 = arith.constant 0 : index
      %get3A_195 = vector.load %arg1[%get3A_193, %get3A_194] : memref<256x128xf32, #tpu.memory_space<vmem>>, vector<1x128xf32>
      %get3A_196 = arith.constant 4 : index
      %get3A_197 = memref.load %arg0[%get3A_196] : memref<17xi32, #tpu.memory_space<smem>>
      %add3A_198 = arith.addi %get3A_197, %while3A_106 : i32
      %min3A_199 = arith.constant 255 : i32
      %min3A_200 = arith.minsi %add3A_198, %min3A_199 : i32
      %get3A_201 = arith.index_cast %min3A_200 : i32 to index
      %get3A_202 = arith.constant 0 : index
      %get3A_203 = vector.load %arg1[%get3A_201, %get3A_202] : memref<256x128xf32, #tpu.memory_space<vmem>>, vector<1x128xf32>
      %get3A_204 = arith.constant 5 : index
      %get3A_205 = memref.load %arg0[%get3A_204] : memref<17xi32, #tpu.memory_space<smem>>
      %add3A_206 = arith.addi %get3A_205, %while3A_106 : i32
      %min3A_207 = arith.constant 255 : i32
      %min3A_208 = arith.minsi %add3A_206, %min3A_207 : i32
      %get3A_209 = arith.index_cast %min3A_208 : i32 to index
      %get3A_210 = arith.constant 0 : index
      %get3A_211 = vector.load %arg1[%get3A_209, %get3A_210] : memref<256x128xf32, #tpu.memory_space<vmem>>, vector<1x128xf32>
      %get3A_212 = arith.constant 6 : index
      %get3A_213 = memref.load %arg0[%get3A_212] : memref<17xi32, #tpu.memory_space<smem>>
      %add3A_214 = arith.addi %get3A_213, %while3A_106 : i32
      %min3A_215 = arith.constant 255 : i32
      %min3A_216 = arith.minsi %add3A_214, %min3A_215 : i32
      %get3A_217 = arith.index_cast %min3A_216 : i32 to index
      %get3A_218 = arith.constant 0 : index
      %get3A_219 = vector.load %arg1[%get3A_217, %get3A_218] : memref<256x128xf32, #tpu.memory_space<vmem>>, vector<1x128xf32>
      %get3A_220 = arith.constant 7 : index
      %get3A_221 = memref.load %arg0[%get3A_220] : memref<17xi32, #tpu.memory_space<smem>>
      %add3A_222 = arith.addi %get3A_221, %while3A_106 : i32
      %min3A_223 = arith.constant 255 : i32
      %min3A_224 = arith.minsi %add3A_222, %min3A_223 : i32
      %get3A_225 = arith.index_cast %min3A_224 : i32 to index
      %get3A_226 = arith.constant 0 : index
      %get3A_227 = vector.load %arg1[%get3A_225, %get3A_226] : memref<256x128xf32, #tpu.memory_space<vmem>>, vector<1x128xf32>
      %get3A_228 = arith.constant 8 : index
      %get3A_229 = memref.load %arg0[%get3A_228] : memref<17xi32, #tpu.memory_space<smem>>
      %add3A_230 = arith.addi %get3A_229, %while3A_106 : i32
      %min3A_231 = arith.constant 255 : i32
      %min3A_232 = arith.minsi %add3A_230, %min3A_231 : i32
      %get3A_233 = arith.index_cast %min3A_232 : i32 to index
      %get3A_234 = arith.constant 0 : index
      %get3A_235 = vector.load %arg1[%get3A_233, %get3A_234] : memref<256x128xf32, #tpu.memory_space<vmem>>, vector<1x128xf32>
      %concatenate3A = tpu.concatenate %get3A_179, %get3A_187, %get3A_195, %get3A_203, %get3A_211, %get3A_219, %get3A_227, %get3A_235 in 0 : vector<1x128xf32>, vector<1x128xf32>, vector<1x128xf32>, vector<1x128xf32>, vector<1x128xf32>, vector<1x128xf32>, vector<1x128xf32>, vector<1x128xf32> -> vector<8x128xf32>
      %get3A_236 = arith.constant 0 : index
      %get3A_237 = arith.constant 0 : index
      %get3A_238 = vector.load %arg2[%get3A_236, %get3A_237] : memref<8x1xi32, #tpu.memory_space<vmem>>, vector<8x1xi32>
      %lt3A_239 = vector.broadcast %while3A_106 : i32 to vector<8x1xi32>
      %lt3A_240 = arith.cmpi slt, %lt3A_239, %get3A_238 : vector<8x1xi32>
      %jit3A_241 = arith.constant 0.000000e+00 : f32
      %broadcast_in_dim3A_242 = vector.shape_cast %lt3A_240 : vector<8x1xi1> to vector<8x1xi1>
      %broadcast_in_dim3A_243 = vector.broadcast %broadcast_in_dim3A_242 : vector<8x1xi1> to vector<8x128xi1>
      %broadcast_in_dim3A_244 = vector.broadcast %jit3A_241 : f32 to vector<8x128xf32>
      %select_n3A_245 = arith.select %broadcast_in_dim3A_243, %concatenate3A, %broadcast_in_dim3A_244 : vector<8x128xi1>, vector<8x128xf32>
      %concatenate3A_246 = tpu.concatenate %select_n3A_245, %while3A_108 in 1 : vector<8x128xf32>, vector<8x800xf32> -> vector<8x928xf32>
      %get3A_247 = arith.constant 0 : index
      %get3A_248 = arith.constant 0 : index
      %get3A_249 = vector.load %arg3[%get3A_247, %get3A_248] : memref<928x800xf32, #tpu.memory_space<vmem>>, vector<928x800xf32>
      %dot_general3A_250 = arith.constant dense<0.000000e+00> : vector<8x800xf32>
      %dot_general3A_251 = tpu.matmul %concatenate3A_246, %get3A_249, %dot_general3A_250 {dimension_numbers = #tpu.dot_dimension_numbers<[1], [0], [0], [1], [0, 0, 1, 1], [], []>, transpose_lhs_hint = false} : vector<8x928xf32>, vector<928x800xf32>, vector<8x800xf32> -> vector<8x800xf32>
      %slice3A_252 = vector.extract_strided_slice %get3A_68 {offsets = [0, 0], sizes = [1, 800], strides = [1, 1]} : vector<1x2400xf32> to vector<1x800xf32>
      %add3A_253 = vector.broadcast %slice3A_252 : vector<1x800xf32> to vector<8x800xf32>
      %add3A_254 = arith.addf %dot_general3A_251, %add3A_253 : vector<8x800xf32>
      %get3A_255 = arith.constant 0 : index
      %get3A_256 = arith.constant 0 : index
      %get3A_257 = vector.load %arg4[%get3A_255, %get3A_256] : memref<928x800xf32, #tpu.memory_space<vmem>>, vector<928x800xf32>
      %dot_general3A_258 = arith.constant dense<0.000000e+00> : vector<8x800xf32>
      %dot_general3A_259 = tpu.matmul %concatenate3A_246, %get3A_257, %dot_general3A_258 {dimension_numbers = #tpu.dot_dimension_numbers<[1], [0], [0], [1], [0, 0, 1, 1], [], []>, transpose_lhs_hint = false} : vector<8x928xf32>, vector<928x800xf32>, vector<8x800xf32> -> vector<8x800xf32>
      %slice3A_260 = vector.extract_strided_slice %get3A_68 {offsets = [0, 800], sizes = [1, 800], strides = [1, 1]} : vector<1x2400xf32> to vector<1x800xf32>
      %add3A_261 = vector.broadcast %slice3A_260 : vector<1x800xf32> to vector<8x800xf32>
      %add3A_262 = arith.addf %dot_general3A_259, %add3A_261 : vector<8x800xf32>
      %get3A_263 = arith.constant 0 : index
      %get3A_264 = arith.constant 0 : index
      %get3A_265 = vector.load %arg5[%get3A_263, %get3A_264] : memref<928x800xf32, #tpu.memory_space<vmem>>, vector<928x800xf32>
      %dot_general3A_266 = arith.constant dense<0.000000e+00> : vector<8x800xf32>
      %dot_general3A_267 = tpu.matmul %concatenate3A_246, %get3A_265, %dot_general3A_266 {dimension_numbers = #tpu.dot_dimension_numbers<[1], [0], [0], [1], [0, 0, 1, 1], [], []>, transpose_lhs_hint = false} : vector<8x928xf32>, vector<928x800xf32>, vector<8x800xf32> -> vector<8x800xf32>
      %slice3A_268 = vector.extract_strided_slice %get3A_68 {offsets = [0, 1600], sizes = [1, 800], strides = [1, 1]} : vector<1x2400xf32> to vector<1x800xf32>
      %add3A_269 = vector.broadcast %slice3A_268 : vector<1x800xf32> to vector<8x800xf32>
      %add3A_270 = arith.addf %dot_general3A_267, %add3A_269 : vector<8x800xf32>
      %get3A_271 = arith.constant 0 : index
      %get3A_272 = arith.constant 0 : index
      %get3A_273 = vector.load %arg7[%get3A_271, %get3A_272] : memref<800x800xf32, #tpu.memory_space<vmem>>, vector<800x800xf32>
      %dot_general3A_274 = arith.constant dense<0.000000e+00> : vector<8x800xf32>
      %dot_general3A_275 = tpu.matmul %while3A_107, %get3A_273, %dot_general3A_274 {dimension_numbers = #tpu.dot_dimension_numbers<[1], [0], [0], [1], [0, 0, 1, 1], [], []>, transpose_lhs_hint = false} : vector<8x800xf32>, vector<800x800xf32>, vector<8x800xf32> -> vector<8x800xf32>
      %slice3A_276 = vector.extract_strided_slice %get3A_71 {offsets = [0, 0], sizes = [1, 800], strides = [1, 1]} : vector<1x2400xf32> to vector<1x800xf32>
      %add3A_277 = vector.broadcast %slice3A_276 : vector<1x800xf32> to vector<8x800xf32>
      %add3A_278 = arith.addf %dot_general3A_275, %add3A_277 : vector<8x800xf32>
      %get3A_279 = arith.constant 0 : index
      %get3A_280 = arith.constant 0 : index
      %get3A_281 = vector.load %arg8[%get3A_279, %get3A_280] : memref<800x800xf32, #tpu.memory_space<vmem>>, vector<800x800xf32>
      %dot_general3A_282 = arith.constant dense<0.000000e+00> : vector<8x800xf32>
      %dot_general3A_283 = tpu.matmul %while3A_107, %get3A_281, %dot_general3A_282 {dimension_numbers = #tpu.dot_dimension_numbers<[1], [0], [0], [1], [0, 0, 1, 1], [], []>, transpose_lhs_hint = false} : vector<8x800xf32>, vector<800x800xf32>, vector<8x800xf32> -> vector<8x800xf32>
      %slice3A_284 = vector.extract_strided_slice %get3A_71 {offsets = [0, 800], sizes = [1, 800], strides = [1, 1]} : vector<1x2400xf32> to vector<1x800xf32>
      %add3A_285 = vector.broadcast %slice3A_284 : vector<1x800xf32> to vector<8x800xf32>
      %add3A_286 = arith.addf %dot_general3A_283, %add3A_285 : vector<8x800xf32>
      %get3A_287 = arith.constant 0 : index
      %get3A_288 = arith.constant 0 : index
      %get3A_289 = vector.load %arg9[%get3A_287, %get3A_288] : memref<800x800xf32, #tpu.memory_space<vmem>>, vector<800x800xf32>
      %dot_general3A_290 = arith.constant dense<0.000000e+00> : vector<8x800xf32>
      %dot_general3A_291 = tpu.matmul %while3A_107, %get3A_289, %dot_general3A_290 {dimension_numbers = #tpu.dot_dimension_numbers<[1], [0], [0], [1], [0, 0, 1, 1], [], []>, transpose_lhs_hint = false} : vector<8x800xf32>, vector<800x800xf32>, vector<8x800xf32> -> vector<8x800xf32>
      %slice3A_292 = vector.extract_strided_slice %get3A_71 {offsets = [0, 1600], sizes = [1, 800], strides = [1, 1]} : vector<1x2400xf32> to vector<1x800xf32>
      %add3A_293 = vector.broadcast %slice3A_292 : vector<1x800xf32> to vector<8x800xf32>
      %add3A_294 = arith.addf %dot_general3A_291, %add3A_293 : vector<8x800xf32>
      %add3A_295 = arith.addf %add3A_254, %add3A_278 : vector<8x800xf32>
      %logistic3A = arith.negf %add3A_295 : vector<8x800xf32>
      %logistic3A_296 = math.exp %logistic3A : vector<8x800xf32>
      %logistic3A_297 = arith.constant 1.000000e+00 : f32
      %logistic3A_298 = vector.broadcast %logistic3A_297 : f32 to vector<8x800xf32>
      %logistic3A_299 = arith.addf %logistic3A_298, %logistic3A_296 : vector<8x800xf32>
      %logistic3A_300 = arith.divf %logistic3A_298, %logistic3A_299 : vector<8x800xf32>
      %add3A_301 = arith.addf %add3A_262, %add3A_286 : vector<8x800xf32>
      %logistic3A_302 = arith.negf %add3A_301 : vector<8x800xf32>
      %logistic3A_303 = math.exp %logistic3A_302 : vector<8x800xf32>
      %logistic3A_304 = arith.constant 1.000000e+00 : f32
      %logistic3A_305 = vector.broadcast %logistic3A_304 : f32 to vector<8x800xf32>
      %logistic3A_306 = arith.addf %logistic3A_305, %logistic3A_303 : vector<8x800xf32>
      %logistic3A_307 = arith.divf %logistic3A_305, %logistic3A_306 : vector<8x800xf32>
      %mul3A = arith.mulf %logistic3A_300, %add3A_294 : vector<8x800xf32>
      %add3A_308 = arith.addf %add3A_270, %mul3A : vector<8x800xf32>
      %tanh3A = math.tanh %add3A_308 : vector<8x800xf32>
      %sub3A_309 = arith.constant 1.000000e+00 : f32
      %sub3A_310 = vector.broadcast %sub3A_309 : f32 to vector<8x800xf32>
      %sub3A_311 = arith.subf %sub3A_310, %logistic3A_307 : vector<8x800xf32>
      %mul3A_312 = arith.mulf %sub3A_311, %tanh3A : vector<8x800xf32>
      %mul3A_313 = arith.mulf %logistic3A_307, %while3A_107 : vector<8x800xf32>
      %add3A_314 = arith.addf %mul3A_312, %mul3A_313 : vector<8x800xf32>
      %get3A_315 = arith.constant 0 : index
      %get3A_316 = arith.constant 0 : index
      %get3A_317 = vector.load %arg11[%get3A_315, %get3A_316] : memref<800x3xf32, #tpu.memory_space<vmem>>, vector<800x3xf32>
      %dot_general3A_318 = arith.constant dense<0.000000e+00> : vector<8x3xf32>
      %dot_general3A_319 = tpu.matmul %add3A_314, %get3A_317, %dot_general3A_318 {dimension_numbers = #tpu.dot_dimension_numbers<[1], [0], [0], [1], [0, 0, 1, 1], [], []>, transpose_lhs_hint = false} : vector<8x800xf32>, vector<800x3xf32>, vector<8x3xf32> -> vector<8x3xf32>
      %add3A_320 = vector.broadcast %get3A_83 : vector<1x3xf32> to vector<8x3xf32>
      %add3A_321 = arith.addf %dot_general3A_319, %add3A_320 : vector<8x3xf32>
      %tanh3A_322 = math.tanh %add3A_321 : vector<8x3xf32>
      %mul3A_323 = arith.constant 3.14159274 : f32
      %mul3A_324 = vector.broadcast %mul3A_323 : f32 to vector<8x3xf32>
      %mul3A_325 = arith.mulf %mul3A_324, %tanh3A_322 : vector<8x3xf32>
      %cos3A = math.cos %mul3A_325 : vector<8x3xf32>
      %sin3A = math.sin %mul3A_325 : vector<8x3xf32>
      %mul3A_326 = arith.mulf %cos3A, %cos3A : vector<8x3xf32>
      %mul3A_327 = arith.mulf %sin3A, %sin3A : vector<8x3xf32>
      %add3A_328 = arith.addf %mul3A_326, %mul3A_327 : vector<8x3xf32>
      %add3A_329 = arith.constant 0.00999999977 : f32
      %add3A_330 = vector.broadcast %add3A_329 : f32 to vector<8x3xf32>
      %add3A_331 = arith.addf %add3A_328, %add3A_330 : vector<8x3xf32>
      %rsqrt3A = math.rsqrt %add3A_331 : vector<8x3xf32>
      %mul3A_332 = arith.constant 1.500000e+00 : f32
      %mul3A_333 = vector.broadcast %mul3A_332 : f32 to vector<8x3xf32>
      %mul3A_334 = arith.mulf %mul3A_333, %cos3A : vector<8x3xf32>
      %mul3A_335 = arith.mulf %mul3A_334, %rsqrt3A : vector<8x3xf32>
      %mul3A_336 = arith.constant 1.500000e+00 : f32
      %mul3A_337 = vector.broadcast %mul3A_336 : f32 to vector<8x3xf32>
      %mul3A_338 = arith.mulf %mul3A_337, %sin3A : vector<8x3xf32>
      %mul3A_339 = arith.mulf %mul3A_338, %rsqrt3A : vector<8x3xf32>
      %mul3A_340 = arith.constant 1.500000e-01 : f32
      %mul3A_341 = vector.broadcast %mul3A_340 : f32 to vector<8x3xf32>
      %mul3A_342 = arith.mulf %mul3A_341, %rsqrt3A : vector<8x3xf32>
      %slice3A_343 = vector.extract_strided_slice %select_n3A_121 {offsets = [0, 0], sizes = [8, 1], strides = [1, 1]} : vector<8x3xf32> to vector<8x1xf32>
      %slice3A_344 = vector.extract_strided_slice %mul3A_335 {offsets = [0, 0], sizes = [8, 1], strides = [1, 1]} : vector<8x3xf32> to vector<8x1xf32>
      %add3A_345 = arith.addf %slice3A_343, %slice3A_344 : vector<8x1xf32>
      %slice3A_346 = vector.extract_strided_slice %select_n3A_121 {offsets = [0, 1], sizes = [8, 1], strides = [1, 1]} : vector<8x3xf32> to vector<8x1xf32>
      %slice3A_347 = vector.extract_strided_slice %mul3A_339 {offsets = [0, 0], sizes = [8, 1], strides = [1, 1]} : vector<8x3xf32> to vector<8x1xf32>
      %add3A_348 = arith.addf %slice3A_346, %slice3A_347 : vector<8x1xf32>
      %slice3A_349 = vector.extract_strided_slice %select_n3A_121 {offsets = [0, 2], sizes = [8, 1], strides = [1, 1]} : vector<8x3xf32> to vector<8x1xf32>
      %slice3A_350 = vector.extract_strided_slice %mul3A_342 {offsets = [0, 0], sizes = [8, 1], strides = [1, 1]} : vector<8x3xf32> to vector<8x1xf32>
      %add3A_351 = arith.addf %slice3A_349, %slice3A_350 : vector<8x1xf32>
      %slice3A_352 = vector.extract_strided_slice %mul3A_335 {offsets = [0, 1], sizes = [8, 1], strides = [1, 1]} : vector<8x3xf32> to vector<8x1xf32>
      %add3A_353 = arith.addf %add3A_345, %slice3A_352 : vector<8x1xf32>
      %slice3A_354 = vector.extract_strided_slice %mul3A_339 {offsets = [0, 1], sizes = [8, 1], strides = [1, 1]} : vector<8x3xf32> to vector<8x1xf32>
      %add3A_355 = arith.addf %add3A_348, %slice3A_354 : vector<8x1xf32>
      %slice3A_356 = vector.extract_strided_slice %mul3A_342 {offsets = [0, 1], sizes = [8, 1], strides = [1, 1]} : vector<8x3xf32> to vector<8x1xf32>
      %add3A_357 = arith.addf %add3A_351, %slice3A_356 : vector<8x1xf32>
      %slice3A_358 = vector.extract_strided_slice %mul3A_335 {offsets = [0, 2], sizes = [8, 1], strides = [1, 1]} : vector<8x3xf32> to vector<8x1xf32>
      %add3A_359 = arith.addf %add3A_353, %slice3A_358 : vector<8x1xf32>
      %slice3A_360 = vector.extract_strided_slice %mul3A_339 {offsets = [0, 2], sizes = [8, 1], strides = [1, 1]} : vector<8x3xf32> to vector<8x1xf32>
      %add3A_361 = arith.addf %add3A_355, %slice3A_360 : vector<8x1xf32>
      %slice3A_362 = vector.extract_strided_slice %mul3A_342 {offsets = [0, 2], sizes = [8, 1], strides = [1, 1]} : vector<8x3xf32> to vector<8x1xf32>
      %add3A_363 = arith.addf %add3A_357, %slice3A_362 : vector<8x1xf32>
      %concatenate3A_364 = tpu.concatenate %add3A_345, %add3A_348, %add3A_351, %add3A_353, %add3A_355, %add3A_357, %add3A_359, %add3A_361, %add3A_363 in 1 : vector<8x1xf32>, vector<8x1xf32>, vector<8x1xf32>, vector<8x1xf32>, vector<8x1xf32>, vector<8x1xf32>, vector<8x1xf32>, vector<8x1xf32>, vector<8x1xf32> -> vector<8x9xf32>
      %swap3A_365 = arith.index_cast %while3A_106 : i32 to index
      %swap3A_366 = arith.constant 0 : index
      %swap3A_367 = arith.constant 0 : index
      %swap3A_368 = vector.load %arg20[%swap3A_365, %swap3A_366, %swap3A_367] : memref<256x8x9xf32, #tpu.memory_space<vmem>>, vector<1x8x9xf32>
      %swap3A_369 = vector.shape_cast %swap3A_368 : vector<1x8x9xf32> to vector<8x9xf32>
      %swap3A_370 = vector.shape_cast %concatenate3A_364 : vector<8x9xf32> to vector<1x8x9xf32>
      tpu.vector_store %arg20[%swap3A_365, %swap3A_366, %swap3A_367], %swap3A_370 {strides = array<i32>} : memref<256x8x9xf32, #tpu.memory_space<vmem>>, vector<1x8x9xf32>,
      %get3A_371 = arith.constant 9 : index
      %get3A_372 = memref.load %arg0[%get3A_371] : memref<17xi32, #tpu.memory_space<smem>>
      %lt3A_373 = arith.cmpi slt, %while3A_106, %get3A_372 : i32
      %convert_element_type3A_374 = arith.extui %lt3A_373 : i1 to i32
      %cond3A = arith.constant 0 : i32
      %cond3A_375 = arith.cmpi ne, %convert_element_type3A_374, %cond3A : i32
      scf.if %cond3A_375 {
        %get3A_445 = arith.constant 1 : index
        %get3A_446 = memref.load %arg0[%get3A_445] : memref<17xi32, #tpu.memory_space<smem>>
        %add3A_447 = arith.addi %get3A_446, %while3A_106 : i32
        %slice3A_448 = vector.extract_strided_slice %concatenate3A_364 {offsets = [0, 0], sizes = [1, 9], strides = [1, 1]} : vector<8x9xf32> to vector<1x9xf32>
        %swap3A_449 = arith.index_cast %add3A_447 : i32 to index
        %swap3A_450 = arith.constant 0 : index
        %swap3A_451 = vector.load %arg18[%swap3A_449, %swap3A_450] : memref<256x9xf32, #tpu.memory_space<vmem>>, vector<1x9xf32>
        tpu.vector_store %arg18[%swap3A_449, %swap3A_450], %slice3A_448 {strides = array<i32>} : memref<256x9xf32, #tpu.memory_space<vmem>>, vector<1x9xf32>,
        %slice3A_452 = vector.extract_strided_slice %mul3A_325 {offsets = [0, 0], sizes = [1, 3], strides = [1, 1]} : vector<8x3xf32> to vector<1x3xf32>
        %swap3A_453 = arith.index_cast %add3A_447 : i32 to index
        %swap3A_454 = arith.constant 0 : index
        %swap3A_455 = vector.load %arg19[%swap3A_453, %swap3A_454] : memref<256x3xf32, #tpu.memory_space<vmem>>, vector<1x3xf32>
        tpu.vector_store %arg19[%swap3A_453, %swap3A_454], %slice3A_452 {strides = array<i32>} : memref<256x3xf32, #tpu.memory_space<vmem>>, vector<1x3xf32>,
      } else {
      }
      %get3A_376 = arith.constant 10 : index
      %get3A_377 = memref.load %arg0[%get3A_376] : memref<17xi32, #tpu.memory_space<smem>>
      %lt3A_378 = arith.cmpi slt, %while3A_106, %get3A_377 : i32
      %convert_element_type3A_379 = arith.extui %lt3A_378 : i1 to i32
      %cond3A_380 = arith.constant 0 : i32
      %cond3A_381 = arith.cmpi ne, %convert_element_type3A_379, %cond3A_380 : i32
      scf.if %cond3A_381 {
        %get3A_445 = arith.constant 2 : index
        %get3A_446 = memref.load %arg0[%get3A_445] : memref<17xi32, #tpu.memory_space<smem>>
        %add3A_447 = arith.addi %get3A_446, %while3A_106 : i32
        %slice3A_448 = vector.extract_strided_slice %concatenate3A_364 {offsets = [1, 0], sizes = [1, 9], strides = [1, 1]} : vector<8x9xf32> to vector<1x9xf32>
        %swap3A_449 = arith.index_cast %add3A_447 : i32 to index
        %swap3A_450 = arith.constant 0 : index
        %swap3A_451 = vector.load %arg18[%swap3A_449, %swap3A_450] : memref<256x9xf32, #tpu.memory_space<vmem>>, vector<1x9xf32>
        tpu.vector_store %arg18[%swap3A_449, %swap3A_450], %slice3A_448 {strides = array<i32>} : memref<256x9xf32, #tpu.memory_space<vmem>>, vector<1x9xf32>,
        %slice3A_452 = vector.extract_strided_slice %mul3A_325 {offsets = [1, 0], sizes = [1, 3], strides = [1, 1]} : vector<8x3xf32> to vector<1x3xf32>
        %swap3A_453 = arith.index_cast %add3A_447 : i32 to index
        %swap3A_454 = arith.constant 0 : index
        %swap3A_455 = vector.load %arg19[%swap3A_453, %swap3A_454] : memref<256x3xf32, #tpu.memory_space<vmem>>, vector<1x3xf32>
        tpu.vector_store %arg19[%swap3A_453, %swap3A_454], %slice3A_452 {strides = array<i32>} : memref<256x3xf32, #tpu.memory_space<vmem>>, vector<1x3xf32>,
      } else {
      }
      %get3A_382 = arith.constant 11 : index
      %get3A_383 = memref.load %arg0[%get3A_382] : memref<17xi32, #tpu.memory_space<smem>>
      %lt3A_384 = arith.cmpi slt, %while3A_106, %get3A_383 : i32
      %convert_element_type3A_385 = arith.extui %lt3A_384 : i1 to i32
      %cond3A_386 = arith.constant 0 : i32
      %cond3A_387 = arith.cmpi ne, %convert_element_type3A_385, %cond3A_386 : i32
      scf.if %cond3A_387 {
        %get3A_445 = arith.constant 3 : index
        %get3A_446 = memref.load %arg0[%get3A_445] : memref<17xi32, #tpu.memory_space<smem>>
        %add3A_447 = arith.addi %get3A_446, %while3A_106 : i32
        %slice3A_448 = vector.extract_strided_slice %concatenate3A_364 {offsets = [2, 0], sizes = [1, 9], strides = [1, 1]} : vector<8x9xf32> to vector<1x9xf32>
        %swap3A_449 = arith.index_cast %add3A_447 : i32 to index
        %swap3A_450 = arith.constant 0 : index
        %swap3A_451 = vector.load %arg18[%swap3A_449, %swap3A_450] : memref<256x9xf32, #tpu.memory_space<vmem>>, vector<1x9xf32>
        tpu.vector_store %arg18[%swap3A_449, %swap3A_450], %slice3A_448 {strides = array<i32>} : memref<256x9xf32, #tpu.memory_space<vmem>>, vector<1x9xf32>,
        %slice3A_452 = vector.extract_strided_slice %mul3A_325 {offsets = [2, 0], sizes = [1, 3], strides = [1, 1]} : vector<8x3xf32> to vector<1x3xf32>
        %swap3A_453 = arith.index_cast %add3A_447 : i32 to index
        %swap3A_454 = arith.constant 0 : index
        %swap3A_455 = vector.load %arg19[%swap3A_453, %swap3A_454] : memref<256x3xf32, #tpu.memory_space<vmem>>, vector<1x3xf32>
        tpu.vector_store %arg19[%swap3A_453, %swap3A_454], %slice3A_452 {strides = array<i32>} : memref<256x3xf32, #tpu.memory_space<vmem>>, vector<1x3xf32>,
      } else {
      }
      %get3A_388 = arith.constant 12 : index
      %get3A_389 = memref.load %arg0[%get3A_388] : memref<17xi32, #tpu.memory_space<smem>>
      %lt3A_390 = arith.cmpi slt, %while3A_106, %get3A_389 : i32
      %convert_element_type3A_391 = arith.extui %lt3A_390 : i1 to i32
      %cond3A_392 = arith.constant 0 : i32
      %cond3A_393 = arith.cmpi ne, %convert_element_type3A_391, %cond3A_392 : i32
      scf.if %cond3A_393 {
        %get3A_445 = arith.constant 4 : index
        %get3A_446 = memref.load %arg0[%get3A_445] : memref<17xi32, #tpu.memory_space<smem>>
        %add3A_447 = arith.addi %get3A_446, %while3A_106 : i32
        %slice3A_448 = vector.extract_strided_slice %concatenate3A_364 {offsets = [3, 0], sizes = [1, 9], strides = [1, 1]} : vector<8x9xf32> to vector<1x9xf32>
        %swap3A_449 = arith.index_cast %add3A_447 : i32 to index
        %swap3A_450 = arith.constant 0 : index
        %swap3A_451 = vector.load %arg18[%swap3A_449, %swap3A_450] : memref<256x9xf32, #tpu.memory_space<vmem>>, vector<1x9xf32>
        tpu.vector_store %arg18[%swap3A_449, %swap3A_450], %slice3A_448 {strides = array<i32>} : memref<256x9xf32, #tpu.memory_space<vmem>>, vector<1x9xf32>,
        %slice3A_452 = vector.extract_strided_slice %mul3A_325 {offsets = [3, 0], sizes = [1, 3], strides = [1, 1]} : vector<8x3xf32> to vector<1x3xf32>
        %swap3A_453 = arith.index_cast %add3A_447 : i32 to index
        %swap3A_454 = arith.constant 0 : index
        %swap3A_455 = vector.load %arg19[%swap3A_453, %swap3A_454] : memref<256x3xf32, #tpu.memory_space<vmem>>, vector<1x3xf32>
        tpu.vector_store %arg19[%swap3A_453, %swap3A_454], %slice3A_452 {strides = array<i32>} : memref<256x3xf32, #tpu.memory_space<vmem>>, vector<1x3xf32>,
      } else {
      }
      %get3A_394 = arith.constant 13 : index
      %get3A_395 = memref.load %arg0[%get3A_394] : memref<17xi32, #tpu.memory_space<smem>>
      %lt3A_396 = arith.cmpi slt, %while3A_106, %get3A_395 : i32
      %convert_element_type3A_397 = arith.extui %lt3A_396 : i1 to i32
      %cond3A_398 = arith.constant 0 : i32
      %cond3A_399 = arith.cmpi ne, %convert_element_type3A_397, %cond3A_398 : i32
      scf.if %cond3A_399 {
        %get3A_445 = arith.constant 5 : index
        %get3A_446 = memref.load %arg0[%get3A_445] : memref<17xi32, #tpu.memory_space<smem>>
        %add3A_447 = arith.addi %get3A_446, %while3A_106 : i32
        %slice3A_448 = vector.extract_strided_slice %concatenate3A_364 {offsets = [4, 0], sizes = [1, 9], strides = [1, 1]} : vector<8x9xf32> to vector<1x9xf32>
        %swap3A_449 = arith.index_cast %add3A_447 : i32 to index
        %swap3A_450 = arith.constant 0 : index
        %swap3A_451 = vector.load %arg18[%swap3A_449, %swap3A_450] : memref<256x9xf32, #tpu.memory_space<vmem>>, vector<1x9xf32>
        tpu.vector_store %arg18[%swap3A_449, %swap3A_450], %slice3A_448 {strides = array<i32>} : memref<256x9xf32, #tpu.memory_space<vmem>>, vector<1x9xf32>,
        %slice3A_452 = vector.extract_strided_slice %mul3A_325 {offsets = [4, 0], sizes = [1, 3], strides = [1, 1]} : vector<8x3xf32> to vector<1x3xf32>
        %swap3A_453 = arith.index_cast %add3A_447 : i32 to index
        %swap3A_454 = arith.constant 0 : index
        %swap3A_455 = vector.load %arg19[%swap3A_453, %swap3A_454] : memref<256x3xf32, #tpu.memory_space<vmem>>, vector<1x3xf32>
        tpu.vector_store %arg19[%swap3A_453, %swap3A_454], %slice3A_452 {strides = array<i32>} : memref<256x3xf32, #tpu.memory_space<vmem>>, vector<1x3xf32>,
      } else {
      }
      %get3A_400 = arith.constant 14 : index
      %get3A_401 = memref.load %arg0[%get3A_400] : memref<17xi32, #tpu.memory_space<smem>>
      %lt3A_402 = arith.cmpi slt, %while3A_106, %get3A_401 : i32
      %convert_element_type3A_403 = arith.extui %lt3A_402 : i1 to i32
      %cond3A_404 = arith.constant 0 : i32
      %cond3A_405 = arith.cmpi ne, %convert_element_type3A_403, %cond3A_404 : i32
      scf.if %cond3A_405 {
        %get3A_445 = arith.constant 6 : index
        %get3A_446 = memref.load %arg0[%get3A_445] : memref<17xi32, #tpu.memory_space<smem>>
        %add3A_447 = arith.addi %get3A_446, %while3A_106 : i32
        %slice3A_448 = vector.extract_strided_slice %concatenate3A_364 {offsets = [5, 0], sizes = [1, 9], strides = [1, 1]} : vector<8x9xf32> to vector<1x9xf32>
        %swap3A_449 = arith.index_cast %add3A_447 : i32 to index
        %swap3A_450 = arith.constant 0 : index
        %swap3A_451 = vector.load %arg18[%swap3A_449, %swap3A_450] : memref<256x9xf32, #tpu.memory_space<vmem>>, vector<1x9xf32>
        tpu.vector_store %arg18[%swap3A_449, %swap3A_450], %slice3A_448 {strides = array<i32>} : memref<256x9xf32, #tpu.memory_space<vmem>>, vector<1x9xf32>,
        %slice3A_452 = vector.extract_strided_slice %mul3A_325 {offsets = [5, 0], sizes = [1, 3], strides = [1, 1]} : vector<8x3xf32> to vector<1x3xf32>
        %swap3A_453 = arith.index_cast %add3A_447 : i32 to index
        %swap3A_454 = arith.constant 0 : index
        %swap3A_455 = vector.load %arg19[%swap3A_453, %swap3A_454] : memref<256x3xf32, #tpu.memory_space<vmem>>, vector<1x3xf32>
        tpu.vector_store %arg19[%swap3A_453, %swap3A_454], %slice3A_452 {strides = array<i32>} : memref<256x3xf32, #tpu.memory_space<vmem>>, vector<1x3xf32>,
      } else {
      }
      %get3A_406 = arith.constant 15 : index
      %get3A_407 = memref.load %arg0[%get3A_406] : memref<17xi32, #tpu.memory_space<smem>>
      %lt3A_408 = arith.cmpi slt, %while3A_106, %get3A_407 : i32
      %convert_element_type3A_409 = arith.extui %lt3A_408 : i1 to i32
      %cond3A_410 = arith.constant 0 : i32
      %cond3A_411 = arith.cmpi ne, %convert_element_type3A_409, %cond3A_410 : i32
      scf.if %cond3A_411 {
        %get3A_445 = arith.constant 7 : index
        %get3A_446 = memref.load %arg0[%get3A_445] : memref<17xi32, #tpu.memory_space<smem>>
        %add3A_447 = arith.addi %get3A_446, %while3A_106 : i32
        %slice3A_448 = vector.extract_strided_slice %concatenate3A_364 {offsets = [6, 0], sizes = [1, 9], strides = [1, 1]} : vector<8x9xf32> to vector<1x9xf32>
        %swap3A_449 = arith.index_cast %add3A_447 : i32 to index
        %swap3A_450 = arith.constant 0 : index
        %swap3A_451 = vector.load %arg18[%swap3A_449, %swap3A_450] : memref<256x9xf32, #tpu.memory_space<vmem>>, vector<1x9xf32>
        tpu.vector_store %arg18[%swap3A_449, %swap3A_450], %slice3A_448 {strides = array<i32>} : memref<256x9xf32, #tpu.memory_space<vmem>>, vector<1x9xf32>,
        %slice3A_452 = vector.extract_strided_slice %mul3A_325 {offsets = [6, 0], sizes = [1, 3], strides = [1, 1]} : vector<8x3xf32> to vector<1x3xf32>
        %swap3A_453 = arith.index_cast %add3A_447 : i32 to index
        %swap3A_454 = arith.constant 0 : index
        %swap3A_455 = vector.load %arg19[%swap3A_453, %swap3A_454] : memref<256x3xf32, #tpu.memory_space<vmem>>, vector<1x3xf32>
        tpu.vector_store %arg19[%swap3A_453, %swap3A_454], %slice3A_452 {strides = array<i32>} : memref<256x3xf32, #tpu.memory_space<vmem>>, vector<1x3xf32>,
      } else {
      }
      %get3A_412 = arith.constant 16 : index
      %get3A_413 = memref.load %arg0[%get3A_412] : memref<17xi32, #tpu.memory_space<smem>>
      %lt3A_414 = arith.cmpi slt, %while3A_106, %get3A_413 : i32
      %convert_element_type3A_415 = arith.extui %lt3A_414 : i1 to i32
      %cond3A_416 = arith.constant 0 : i32
      %cond3A_417 = arith.cmpi ne, %convert_element_type3A_415, %cond3A_416 : i32
      scf.if %cond3A_417 {
        %get3A_445 = arith.constant 8 : index
        %get3A_446 = memref.load %arg0[%get3A_445] : memref<17xi32, #tpu.memory_space<smem>>
        %add3A_447 = arith.addi %get3A_446, %while3A_106 : i32
        %slice3A_448 = vector.extract_strided_slice %concatenate3A_364 {offsets = [7, 0], sizes = [1, 9], strides = [1, 1]} : vector<8x9xf32> to vector<1x9xf32>
        %swap3A_449 = arith.index_cast %add3A_447 : i32 to index
        %swap3A_450 = arith.constant 0 : index
        %swap3A_451 = vector.load %arg18[%swap3A_449, %swap3A_450] : memref<256x9xf32, #tpu.memory_space<vmem>>, vector<1x9xf32>
        tpu.vector_store %arg18[%swap3A_449, %swap3A_450], %slice3A_448 {strides = array<i32>} : memref<256x9xf32, #tpu.memory_space<vmem>>, vector<1x9xf32>,
        %slice3A_452 = vector.extract_strided_slice %mul3A_325 {offsets = [7, 0], sizes = [1, 3], strides = [1, 1]} : vector<8x3xf32> to vector<1x3xf32>
        %swap3A_453 = arith.index_cast %add3A_447 : i32 to index
        %swap3A_454 = arith.constant 0 : index
        %swap3A_455 = vector.load %arg19[%swap3A_453, %swap3A_454] : memref<256x3xf32, #tpu.memory_space<vmem>>, vector<1x3xf32>
        tpu.vector_store %arg19[%swap3A_453, %swap3A_454], %slice3A_452 {strides = array<i32>} : memref<256x3xf32, #tpu.memory_space<vmem>>, vector<1x3xf32>,
      } else {
      }
      %broadcast_in_dim3A_418 = arith.constant 0.000000e+00 : f32
      %broadcast_in_dim3A_419 = vector.broadcast %broadcast_in_dim3A_418 : f32 to vector<8x3xf32>
      %concatenate3A_420 = tpu.concatenate %add3A_314, %select_n3A_245, %mul3A_325, %broadcast_in_dim3A_419 in 1 : vector<8x800xf32>, vector<8x128xf32>, vector<8x3xf32>, vector<8x3xf32> -> vector<8x934xf32>
      %get3A_421 = arith.constant 0 : index
      %get3A_422 = arith.constant 0 : index
      %get3A_423 = vector.load %arg17[%get3A_421, %get3A_422] : memref<934x800xf32, #tpu.memory_space<vmem>>, vector<934x800xf32>
      %dot_general3A_424 = arith.constant dense<0.000000e+00> : vector<8x800xf32>
      %dot_general3A_425 = tpu.matmul %concatenate3A_420, %get3A_423, %dot_general3A_424 {dimension_numbers = #tpu.dot_dimension_numbers<[1], [0], [0], [1], [0, 0, 1, 1], [], []>, transpose_lhs_hint = false} : vector<8x934xf32>, vector<934x800xf32>, vector<8x800xf32> -> vector<8x800xf32>
      %swap3A_426 = arith.index_cast %while3A_106 : i32 to index
      %swap3A_427 = arith.constant 0 : index
      %swap3A_428 = arith.constant 0 : index
      %swap3A_429 = vector.load %arg21[%swap3A_426, %swap3A_427, %swap3A_428] : memref<256x8x800xf32, #tpu.memory_space<vmem>>, vector<1x8x800xf32>
      %swap3A_430 = vector.shape_cast %swap3A_429 : vector<1x8x800xf32> to vector<8x800xf32>
      %swap3A_431 = vector.shape_cast %dot_general3A_425 : vector<8x800xf32> to vector<1x8x800xf32>
      tpu.vector_store %arg21[%swap3A_426, %swap3A_427, %swap3A_428], %swap3A_431 {strides = array<i32>} : memref<256x8x800xf32, #tpu.memory_space<vmem>>, vector<1x8x800xf32>,
      %get3A_432 = arith.constant 0 : index
      %get3A_433 = arith.constant 0 : index
      %get3A_434 = vector.load %arg13[%get3A_432, %get3A_433] : memref<934x128xf32, #tpu.memory_space<vmem>>, vector<934x128xf32>
      %dot_general3A_435 = arith.constant dense<0.000000e+00> : vector<8x128xf32>
      %dot_general3A_436 = tpu.matmul %concatenate3A_420, %get3A_434, %dot_general3A_435 {dimension_numbers = #tpu.dot_dimension_numbers<[1], [0], [0], [1], [0, 0, 1, 1], [], []>, transpose_lhs_hint = false} : vector<8x934xf32>, vector<934x128xf32>, vector<8x128xf32> -> vector<8x128xf32>
      %add3A_437 = vector.broadcast %get3A_80 : vector<1x128xf32> to vector<8x128xf32>
      %add3A_438 = arith.addf %dot_general3A_436, %add3A_437 : vector<8x128xf32>
      %swap3A_439 = arith.index_cast %while3A_106 : i32 to index
      %swap3A_440 = arith.constant 0 : index
      %swap3A_441 = arith.constant 0 : index
      %swap3A_442 = vector.load %arg22[%swap3A_439, %swap3A_440, %swap3A_441] : memref<256x8x128xf32, #tpu.memory_space<vmem>>, vector<1x8x128xf32>
      %swap3A_443 = vector.shape_cast %swap3A_442 : vector<1x8x128xf32> to vector<8x128xf32>
      %swap3A_444 = vector.shape_cast %add3A_438 : vector<8x128xf32> to vector<1x8x128xf32>
      tpu.vector_store %arg22[%swap3A_439, %swap3A_440, %swap3A_441], %swap3A_444 {strides = array<i32>} : memref<256x8x128xf32, #tpu.memory_space<vmem>>, vector<1x8x128xf32>,
      scf.yield %add3A_314, %select_n3A_172 : vector<8x800xf32>, vector<8x800xf32>
    }
    return
  }
}

</mosaic_0001>

<sc_bundles>
// kernel: scatter_offload_async_start
scs
__scs_entry_jumppad:
0x0: {  	(pc) =	sbr.rel $0x88, $3  }
0x1: {  	(tag) =	ssettag $0x0;
	lr =	simm.s32 $0x1  }
0x2: {  	[smem:$0x3F95] =	sst lr;
	_ =	strace $0xD0000000  }
0x3: {  	_ = 	snop  }
0x4: {  	_ = 	snop  }
0x5: {  	_ = 	snop  }
0x6: {  	_ = 	snop  }
0x7: {  	_ = 	snop  }
__scs_overlays_trampoline_lowered:
0x8: {  	[smem:$0x3FA4] =	sst s0  }
0x9: {  	[smem:$0x3FA5] =	sst s1  }
0xa: {  	[smem:$0x3FA6] =	sst s2  }
0xb: {  	[smem:$0x3FA7] =	sst s3  }
0xc: {  	[smem:$0x3FA8] =	sst s4  }
0xd: {  	[smem:$0x3FA9] =	sst s5  }
0xe: {  	[smem:$0x3FAA] =	sst s6  }
0xf: {  	[smem:$0x3FAB] =	sst s7  }
0x10: {  	[smem:$0x3FAC] =	sst s8  }
0x11: {  	[smem:$0x3FAD] =	sst s9;
	s0 =	simm.s32 @!p0 $0x0  }
0x12: {  	s1 =	sld [smem:$0x3F93];
	s0 =	simm.s32 @p0 $0x1  }
0x13: {  	[smem:$0x3FAE] =	sst s0;
	s0 =	simm.s32 @!p1 $0x0  }
0x14: {  	s2 =	sld [smem:$0x3F92];
	s0 =	simm.s32 @p1 $0x1  }
0x15: {  	[smem:$0x3FAF] =	sst s0;
	s0 =	simm.s32 @!p2 $0x0  }
0x16: {  	s3 =	sld [smem:$0x3FDB];
	s0 =	simm.s32 @p2 $0x1  }
0x17: {  	s4 =	simm.s32 $0x1BF5;
	[smem:$0x3FB1] =	sst s0  }
0x18: {  	s0 =	sld [smem:$0x3F94];
	_ =	swait.ge [sflag:s4], $0x0  }
0x19: {  	s7 =	sld [smem:$0x3F95]  }
0x1a: {  	s8 =	sadd.s32 $0xFFFFE003, lr  }
0x1b: {  	s9 =	sadd.s32 $0xFFFFFEF7, lr;
	s5 =	simm.s32 $0xFFFFFFFF;
	p2 =	slt.u32 s8, $0xFFFFF086  }
0x1c: {  	p1 =	slt.u32 s9, $0xF7A;
	s5 =	simm.s32 @!p2 $0x0  }
0x1d: {  	s5 =	simm.s32 @p1 $0x1;
	p0 =	seq.s32 s7, s2  }
0x1e: {  	s7 =	smul.u32 @!p0 $0xF7A, s2;
	p2 =	seq.s32 @!p0 s5, $0x0  }
0x1f: {  	s9 =	smul.u32 $0xF7A, s1;
	s8 =	simm.s32 @!p0 $0x1BF5;
	p2 =	por !p2, p0  }
0x20: {  	[sflag:s8] =	ssyncset.s32 @!p0 $0xFFFFF086;
	s6 =	sadd.s32 @!p0 s3, s7;
	s7 =	simm.s32 @!p0 $0x108  }
0x21: {  	s3 =	sadd.s32 s3, s9;
	s6 =	sadd.s32 @!p0 $0x88, s6;
	s7 =	simm.s32 @p2 $0x1082  }
0x22: {  	[simem:s7], [sflag:s8] =	dma.local @!p0 [hbm:s6], $0xF7A  }
0x23: {  	s9 =	sor.u32 $0xD0000000, s2;
	s6 =	simm.s32 $0x108;
	_ =	swait.ge @!p0 [sflag:s8], $0x0  }
0x24: {  	s3 =	sadd.s32 $0x88, s3;
	s6 =	simm.s32 @!p1 $0x1082;
	[sflag:s4] =	ssyncset.s32 $0xFFFFF086  }
0x25: {  	[simem:s6], [sflag:s4] =	dma.local [hbm:s3], $0xF7A  }
0x26: {  	[smem:$0x3F95] =	sst s1;
	(tag) =	ssettag s2;
	_ =	strace s9  }
0x27: {  	s1 =	sld [smem:$0x3FA5]  }
0x28: {  	s2 =	sld [smem:$0x3FA6]  }
0x29: {  	s4 =	sld [smem:$0x3FA8]  }
0x2a: {  	p0 =	seq.s32 s5, $0x0;
	s5 =	sld [smem:$0x3FA9]  }
0x2b: {  	s6 =	sld [smem:$0x3FAA]  }
0x2c: {  	s7 =	sld [smem:$0x3FAB]  }
0x2d: {  	s3 =	simm.s32 $0x108;
	s8 =	sld [smem:$0x3FAC]  }
0x2e: {  	s3 =	simm.s32 @!p0 $0x1082;
	s9 =	sld [smem:$0x3FAD]  }
0x2f: {  	lr =	sadd.s32 s0, s3;
	s0 =	sld [smem:$0x3FA4]  }
0x30: {  	s3 =	sld [smem:$0x3FA7]  }
0x31: {  	[smem:$0x3FB0] =	sst s10  }
0x32: {  	s10 =	sld [smem:$0x3FAE];
	_ =	sdelay $0x3  }
0x33: {  	p0 =	seq.s32 s10, $0x1;
	s10 =	sld [smem:$0x3FB0];
	_ =	sdelay $0x3  }
0x34: {  	[smem:$0x3FB0] =	sst s10  }
0x35: {  	s10 =	sld [smem:$0x3FAF];
	_ =	sdelay $0x3  }
0x36: {  	p1 =	seq.s32 s10, $0x1;
	s10 =	sld [smem:$0x3FB0];
	_ =	sdelay $0x3  }
0x37: {  	[smem:$0x3FB0] =	sst s10  }
0x38: {  	s10 =	sld [smem:$0x3FB1]  }
0x39: {  	_ = 	snop;
	(pc) =	sbr.ind lr, $3  }
0x3a: {  	_ = 	snop  }
0x3b: {  	_ = 	snop  }
0x3c: {  	p2 =	seq.s32 s10, $0x1;
	s10 =	sld [smem:$0x3FB0]  }
0x3d: {  	_ =	shalt  }
0x3e: {  	_ =	shalt  }
0x3f: {  	_ =	shalt  }
0x40: {  	_ =	shalt  }
0x41: {  	_ =	shalt  }
0x42: {  	_ =	shalt  }
0x43: {  	_ =	shalt  }
0x44: {  	_ =	shalt  }
0x45: {  	_ =	shalt  }
0x46: {  	_ =	shalt  }
0x47: {  	_ =	shalt  }
0x48: {  	_ =	shalt  }
0x49: {  	_ =	shalt  }
0x4a: {  	_ =	shalt  }
0x4b: {  	_ =	shalt  }
0x4c: {  	_ =	shalt  }
0x4d: {  	_ =	shalt  }
0x4e: {  	_ =	shalt  }
0x4f: {  	_ =	shalt  }
0x50: {  	_ =	shalt  }
0x51: {  	_ =	shalt  }
0x52: {  	_ =	shalt  }
0x53: {  	_ =	shalt  }
0x54: {  	_ =	shalt  }
0x55: {  	_ =	shalt  }
0x56: {  	_ =	shalt  }
0x57: {  	_ =	shalt  }
0x58: {  	_ =	shalt  }
0x59: {  	_ =	shalt  }
0x5a: {  	_ =	shalt  }
0x5b: {  	_ =	shalt  }
0x5c: {  	_ =	shalt  }
0x5d: {  	_ =	shalt  }
0x5e: {  	_ =	shalt  }
0x5f: {  	_ =	shalt  }
0x60: {  	_ =	shalt  }
0x61: {  	_ =	shalt  }
0x62: {  	_ =	shalt  }
0x63: {  	_ =	shalt  }
0x64: {  	_ =	shalt  }
0x65: {  	_ =	shalt  }
0x66: {  	_ =	shalt  }
0x67: {  	_ =	shalt  }
0x68: {  	_ =	shalt  }
0x69: {  	_ =	shalt  }
0x6a: {  	_ =	shalt  }
0x6b: {  	_ =	shalt  }
0x6c: {  	_ =	shalt  }
0x6d: {  	_ =	shalt  }
0x6e: {  	_ =	shalt  }
0x6f: {  	_ =	shalt  }
0x70: {  	_ =	shalt  }
0x71: {  	_ =	shalt  }
0x72: {  	_ =	shalt  }
0x73: {  	_ =	shalt  }
0x74: {  	_ =	shalt  }
0x75: {  	_ =	shalt  }
0x76: {  	_ =	shalt  }
0x77: {  	_ =	shalt  }
0x78: {  	_ =	shalt  }
0x79: {  	_ =	shalt  }
0x7a: {  	_ =	shalt  }
0x7b: {  	_ =	shalt  }
0x7c: {  	_ =	shalt  }
0x7d: {  	_ =	shalt  }
0x7e: {  	_ =	shalt  }
0x7f: {  	_ =	shalt  }
0x80: {  	_ =	shalt  }
0x81: {  	_ =	shalt  }
0x82: {  	_ =	shalt  }
0x83: {  	_ =	shalt  }
0x84: {  	_ =	shalt  }
0x85: {  	_ =	shalt  }
0x86: {  	_ =	shalt  }
0x87: {  	_ =	shalt  }
.Lfunc_end0:
.L_simem_size_0:
called_computation_lowered:
.L_overlay_start_0:
0x88: {  	s0 =	sld [smem:$0x3FD9]  }
0x89: {  	s1 =	sld [smem:$0x3FFE];
	_ =	sdelay $0x3  }
0x8a: {  	s0 =	sadd.s32 s1, s0  }
0x8b: {  	[smem:$0x3FBC] =	sst s0  }
0x8c: {  	_ = 	snop  }
0x8d: {  	s0 =	sld [smem:$0x3FD0];
	_ =	sdelay $0x2  }
0x8e: {  	s13 =	simm.s32 $0xA;
	s2 =	simm.s32 $0x10  }
0x8f: {  	[smem:s2], [sflag:s13] =	dma.local [hbm:s0], $0x1  }
0x90: {  	_ =	swait.eq [sflag:s13], $0x1  }
0x91: {  	[sflag:s13] =	ssyncset.done $0x0  }
0x92: {  	s14 =	sld [smem:$0x10];
	[sflag:s13] =	ssyncadd.s32 $0xFFFFFFFF  }
0x93: {  	s15 =	sld [smem:$0x11];
	(tm) =	ssettm $0x1  }
0x94: {  	s16 =	sld [smem:$0x3FFB];
	_ =	sdelay $0x3  }
0x95: {  	_ =	strace s16  }
0x96: {  	s2 =	sld [smem:$0x3FFC];
	_ =	sdelay $0x3  }
0x97: {  	_ =	strace s2  }
0x98: {  	s2 =	sld [smem:$0x3FFD];
	_ =	sdelay $0x3  }
0x99: {  	_ =	strace s2  }
0x9a: {  	_ =	strace $0x8FFFFFFF  }
0x9b: {  	s17 =	sld [smem:$0x3FDB];
	_ =	sdelay $0x1  }
0x9c: {  	s3 =	simm.s32 $_scs_section_size  }
0x9d: {  	s4 =	simm.s32 $_size__tile_overlayer_lowered;
	s5 =	simm.s32 $_tile_overlayer_lowered  }
0x9e: {  	s20 =	simm.s32 $0x1BFF;
	s19 =	sshll.u32 s5, $0x1;
	s2 =	sadd.s32 s3, s17  }
0x9f: {  	s6 =	simm.s32 $0x0;
	s18 =	sshll.u32 s4, $0x1;
	s4 =	sadd.s32 s19, s2  }
0xa0: {  	[timem:s6], [sflag:s20] =	dma.local [hbm:s4], s18  }
0xa1: {  	_ =	swait.ge [sflag:s20], s18  }
0xa2: {  	s3 =	ssub.s32 $0x0, s18;
	[sflag:s20] =	ssyncset.done $0x0  }
0xa3: {  	[sflag:s20] =	ssyncadd.s32 s3;
	_ =	sdelay $0x1  }
0xa4: {  	s21 =	simm.s32 $0x1B8B  }
0xa5: {  	_ =	swait.ge [sflag:s21], $0x1  }
0xa6: {  	[sflag:s21] =	ssyncset.done $0x0  }
0xa7: {  	s23 =	simm.s32 $0x1B8E;
	s22 =	sld [smem:$0x3FFE];
	[sflag:s21] =	ssyncadd.s32 $0xFFFFFFFF  }
0xa8: {  	s24 =	simm.s32 $execute0_lowered;
	[smem:$0x3FD2] =	sst s23  }
0xa9: {  	s4 =	sshll.u32 s24, $0x1;
	_ =	strace $0x80000046;
	[dreg:$0x1] =	wrdreg $0xFFFFFFFF  }
0xaa: {  	s25 =	simm.s32 $_size_execute0_lowered;
	s2 =	sadd.s32 s2, s4;
	[dreg:$0x0] =	wrdreg $0x0  }
0xab: {  	s4 =	sshll.u32 s25, $0x1;
	[dreg:$0x2] =	wrdreg s2  }
0xac: {  	[dreg:$0x3] =	wrdreg s4  }
0xad: {  	[dreg:$0x4] =	wrdreg $0xC0  }
0xae: {  	_ =	task [dreg:s6], $0x5FFFF  }
0xaf: {  	[dreg:$0x1] =	wrdreg $0xFFFFFFFF  }
0xb0: {  	[dreg:$0x0] =	wrdreg $0x60  }
0xb1: {  	[dreg:$0x2] =	wrdreg s22  }
0xb2: {  	[dreg:$0x3] =	wrdreg s15  }
0xb3: {  	[dreg:$0x4] =	wrdreg s14  }
0xb4: {  	[dreg:$0x5] =	wrdreg $0x9  }
0xb5: {  	_ =	task.clear_ibuf [dreg:s6], $0x6FFFF;
	_ =	strace $0x90000046  }
0xb6: {  	s26 =	simm.s32 $0x9;
	_ =	strace $0x80000048  }
0xb7: {  	_ =	swait.ge [sflag:s26], $0x1  }
0xb8: {  	[sflag:s26] =	ssyncadd.s32 $0xFFFFFFFF  }
0xb9: {  	_ =	strace $0x90000048  }
0xba: {  	_ =	sfence  }
0xbb: {  	s28 =	sld [smem:$0x0];
	_ =	sdelay $0x1  }
0xbc: {  	s29 =	srdreg.scid  }
0xbd: {  	s30 =	sshll.u32 s29, $0xD;
	s31 =	sshrl.u32 s29, $0x2  }
0xbe: {  	s1 =	sand.u32 $0x1, s29;
	s2 =	sand.u32 $0x4000, s30;
	s0 =	sadd.s32 s31, s28  }
0xbf: {  	s1 =	sor.u32 s2, s1;
	s0 =	sshll.u32 s0, $0x11  }
0xc0: {  	s0 =	sor.u32 s0, s1  }
0xc1: {  	s0 =	sadd.s32 $0x8F2B, s0  }
0xc2: {  	[sflag:s0] =	ssyncadd.remote.s32 $0x1  }
0xc3: {  	_ =	sfence.sel $0xFFFF  }
0xc4: {  	[dreg:$0x0] =	wrdreg $0xFFFFFFFF;
	(pc) =	sbr.abs _section_cstart, $3  }
0xc5: {  	[dreg:$0x1] =	wrdreg $0xFFFFFFFF  }
0xc6: {  	_ =	task.clear_ibuf [dreg:s6], $0x2FFFF;
	_ =	strace $0x9FFFFFFF  }
0xc7: {  	(tm) =	ssettm $0x7FFFFFFF  }
tec
execute0_lowered:
.L_overlay_start_1:
0x0: {  	(tag) =	ssettag $0x1  }
0x1: {  	s0 =	rddreg [dreg:$0x0]  }
0x2: {  	s1 =	rddreg [dreg:$0x1]  }
0x3: {  	s2 =	rddreg [dreg:$0x2]  }
0x4: {  	s3 =	rddreg [dreg:$0x3];
	_ =	strace $0x80000047;
	s4 =	stileid.u32  }
0x5: {  	s5 =	simm.s32 $0x3E;
	s0 =	sadd.s32 $0x1A200, s0;
	p0 =	sne.s32 s4, $0x0  }
0x6: {  	[sflag:s5] =	ssyncpa.u1 $0x0;
	s6 =	simm.s32 @!p0 $0x1C3E;
	s7 =	simm.s32 @!p0 $0x0  }
0x7: {  	[spmem:s7], [sflag:s6] =	dma.local @!p0 [hbm:s0], $0x10  }
0x8: {  	s6 =	simm.s32 @!p0 $0x3E  }
0x9: {  	_ =	swait.ge @!p0 [sflag:s6], $0x10  }
0xa: {  	[sflag:s6] =	ssyncset.done @!p0 $0x0  }
0xb: {  	[sflag:s6] =	ssyncadd.s32 @!p0 $0xFFFFFFF0  }
0xc: {  	s26 =	simm.s32 $0x1;
	[bflag:$0x0] =	sbarrier.arrive $0xFFFF  }
0xd: {  	s28 =	simm.s32 $0x2;
	s8 =	simm.s32 $0x0;
	[sflag:s5] =	ssyncpa.u1 $0x1  }
0xe: {  	s9 =	simm.s32 $0x18;
	s4 =	sshll.u32 s4, $0x1;
	[sflag:s26] =	ssyncpa.u1 $0x0  }
0xf: {  	s1 =	sadd.s32 s1, s4;
	(ifvalue) =	ssetifvalue $0x80;
	[sflag:s28] =	ssyncpa.u1 $0x0  }
0x10: {  	[tilespmem:s9], [sflag:$0x2] =	stream.linear.gather [hbm4b:s1+s8], $0x10, $0x38;
	[tilespmem:$0x48] =	vst v63  }
0x11: {  	s30 =	simm.s32 $0x38;
	s29 =	sadd.s32 s2, s4  }
0x12: {  	[tilespmem:s30], [sflag:$0x2] =	stream.linear.gather [hbm4b:s29+s8], $0x10, $0x38;
	[tilespmem:$0x48] =	vst v63  }
0x13: {  	_ =	swait.ge [sflag:s28], $0x20  }
0x14: {  	[sflag:s28] =	ssyncset.done $0x0  }
0x15: {  	[sflag:s28] =	ssyncadd.s32 $0xFFFFFFE0  }
0x16: {  	v0 =	vld.msk [tilespmem:s9+$0x0 ss:$0x1], $0xffff;
	_ =	sdelay $0x4  }
0x17: {  	v0 =	vmin.u32 v0, $0x80;
	_ =	sdelay $0x3  }
0x18: {  	vm0 =	vmmov $0xffff  }
0x19: {  	[spmem:s8] =	stream.indirect_vreg.scatter.add.s32 [tilespmem:s30], [sflag:$0x1], $0x1, v0, vm0, $0x4038;
	[tilespmem:$0x48] =	vst v63  }
0x1a: {  	_ =	swait.ge [sflag:s26], $0x10  }
0x1b: {  	[sflag:s26] =	ssyncset.done $0x0  }
0x1c: {  	[sflag:s26] =	ssyncadd.s32 $0xFFFFFFF0  }
0x1d: {  	_ =	sfence.sel $0x180000  }
0x1e: {  	[bflag:$0x0] =	sbarrier.arrive $0xFFFF  }
0x1f: {  	[sflag:s28] =	ssyncpa.u1 $0x1  }
0x20: {  	[sflag:s26] =	ssyncpa.u1 $0x1  }
0x21: {  	_ =	sfence.stream.spmem  }
0x22: {  	s31 =	simm.s32 $0x3D;
	[bflag:$0x0] =	sbarrier.arrive $0xFFFF  }
0x23: {  	s1 =	simm.s32 @p0 $0x3D;
	[sflag:s31] =	ssyncpa.u1 $0x0  }
0x24: {  	[sflag:s1] =	ssyncpa.u1 @p0 $0x1  }
0x25: {  	[bflag:$0x0] =	sbarrier.arrive @p0 $0xFFFF  }
0x26: {  	_ =	strace @p0 $0x90000047  }
0x27: {  	s1 =	simm.s32 @!p0 $0x1C3D;
	[bflag:$0x2] =	sbarrier.arrive @p0 $0xFFFF  }
0x28: {  	[hbm:s0], [sflag:s1] =	dma.local @!p0 [spmem:s7], $0x10  }
0x29: {  	s0 =	simm.s32 @!p0 $0x3D  }
0x2a: {  	_ =	swait.ge @!p0 [sflag:s0], $0x10  }
0x2b: {  	[sflag:s0] =	ssyncset.done @!p0 $0x0  }
0x2c: {  	[sflag:s0] =	ssyncadd.s32 @!p0 $0xFFFFFFF0  }
0x2d: {  	[sflag:s0] =	ssyncpa.u1 @!p0 $0x1  }
0x2e: {  	[bflag:$0x0] =	sbarrier.arrive @!p0 $0xFFFF  }
0x2f: {  	_ =	strace @!p0 $0x90000047  }
0x30: {  	s0 =	sadd.s32 @!p0 $0x100000, s3;
	[bflag:$0x2] =	sbarrier.arrive @!p0 $0xFFFF  }
0x31: {  	[sflag:s0] =	ssyncadd.tile.s32 @!p0 $0x1;
	_ =	shalt  }
.Lfunc_end2:
_tile_overlayer_lowered:
.L_overlay_start_2:
0x32: {  	(tag) =	ssettag $0x2  }
0x33: {  	s0 =	rddreg [dreg:$0x0];
	s2 =	stileid.u32  }
0x34: {  	s1 =	rddreg [dreg:$0x1];
	p0 =	sne.s32 s2, $0x0  }
0x35: {  	s3 =	rddreg [dreg:$0x2];
	[bflag:$0x3] =	sbarrier.arrive $0xFFFF;
	s2 =	simm.s32 @!p0 $0x1C01  }
0x36: {  	[timem:s3], [sflag:s2] =	dma.local @!p0 [hbm:s0], s1  }
0x37: {  	s0 =	simm.s32 @!p0 $0x1  }
0x38: {  	_ =	swait.ge @!p0 [sflag:s0], s1  }
0x39: {  	s1 =	ssub.s32 @!p0 $0x0, s1;
	[sflag:s0] =	ssyncset.done @!p0 $0x0  }
0x3a: {  	[sflag:s0] =	ssyncadd.s32 @!p0 s1  }
0x3b: {  	[bflag:$0x3] =	sbarrier.arrive $0xFFFF  }
0x3c: {  	_ =	shalt  }

</sc_bundles>
